<compile_context>
chip_gen: v7x
topology: tpu7x:2x2x1
jax: 0.10.2.dev20260603
libtpu: 0.0.44.dev20260713+nightly
codegen_flags: <defaults>
</compile_context>

<pallas_src>
import functools

import jax
import jax.numpy as jnp
from jax import lax
from jax.experimental import pallas as pl
from jax.experimental.pallas import tpu as pltpu
from jax.experimental.pallas import tpu_sc as plsc

H = 8
K = 32
D = 128
DH = D // H
SCALE = DH ** -0.5
P = 8192
B = 2



def _proj_body(feats_ref, xyz8_ref, wq_ref, wk_ref, wv_ref, wp1_ref,
               q_ref, tab_ref):
    f = feats_ref[...]
    q_ref[...] = jnp.dot(f, wq_ref[...], preferred_element_type=jnp.float32)
    kf = jnp.dot(f, wk_ref[...], preferred_element_type=jnp.float32)
    vf = jnp.dot(f, wv_ref[...], preferred_element_type=jnp.float32)
    t = jnp.dot(xyz8_ref[...], wp1_ref[...], preferred_element_type=jnp.float32)
    tab_ref[...] = jnp.concatenate([kf, vf, t], axis=1)


def _run_proj(feats2, xyz8f, Wq, Wk, Wv, Wp1p):
    BA = 1024
    n = feats2.shape[0]
    return pl.pallas_call(
        _proj_body,
        grid=(n // BA,),
        in_specs=[
            pl.BlockSpec((BA, D), lambda i: (i, 0)),
            pl.BlockSpec((BA, 8), lambda i: (i, 0)),
            pl.BlockSpec((D, D), lambda i: (0, 0)),
            pl.BlockSpec((D, D), lambda i: (0, 0)),
            pl.BlockSpec((D, D), lambda i: (0, 0)),
            pl.BlockSpec((8, D), lambda i: (0, 0)),
        ],
        out_specs=[
            pl.BlockSpec((BA, D), lambda i: (i, 0)),
            pl.BlockSpec((BA, 3 * D), lambda i: (i, 0)),
        ],
        out_shape=[
            jax.ShapeDtypeStruct((n, D), jnp.float32),
            jax.ShapeDtypeStruct((n, 3 * D), jnp.float32),
        ],
        compiler_params=pltpu.CompilerParams(
            dimension_semantics=("parallel",)),
    )(feats2, xyz8f, Wq, Wk, Wv, Wp1p)



G = 32
NG = P // G


def _knn_body(xyzq_ref, xyzT_ref, idx_ref):
    xq = xyzq_ref[...]
    xt = xyzT_ref[...]
    dot = jnp.dot(xq, xt, preferred_element_type=jnp.float32)
    x2q = jnp.sum(xq * xq, axis=1, keepdims=True)
    x2k = jnp.sum(xt * xt, axis=0, keepdims=True)
    d2 = x2q + x2k - 2.0 * dot
    iota = lax.broadcasted_iota(jnp.int32, d2.shape, 1)
    acc0 = jnp.zeros((d2.shape[0], K), jnp.int32)
    lane = lax.broadcasted_iota(jnp.int32, acc0.shape, 1)

    def step(tstep, carry):
        d2c, acc = carry
        m = jnp.min(d2c, axis=1, keepdims=True)
        j = jnp.min(jnp.where(d2c <= m, iota, jnp.int32(2 ** 30)),
                    axis=1, keepdims=True)
        d2c = jnp.where(iota == j, jnp.float32(3.0e38), d2c)
        acc = jnp.where(lane == tstep, j, acc)
        return d2c, acc

    _, acc = lax.fori_loop(0, K, step, (d2, acc0))
    idx_ref[...] = acc + pl.program_id(0) * P


def _run_knn(xyz8, xyzT8):
    QB = 128
    return pl.pallas_call(
        _knn_body,
        grid=(B, P // QB),
        in_specs=[
            pl.BlockSpec((None, QB, 8), lambda b, i: (b, i, 0)),
            pl.BlockSpec((None, 8, P), lambda b, i: (b, 0, 0)),
        ],
        out_specs=pl.BlockSpec((None, QB, K), lambda b, i: (b, i, 0)),
        out_shape=jax.ShapeDtypeStruct((B, P, K), jnp.int32),
        compiler_params=pltpu.CompilerParams(
            dimension_semantics=("parallel", "parallel")),
    )(xyz8, xyzT8)


def _knn_groups_body(xyzq_ref, xyzT_ref, gid_ref):
    xq = xyzq_ref[...]
    xt = xyzT_ref[...]
    dot = jnp.dot(xq, xt, preferred_element_type=jnp.float32,
                  precision=lax.Precision.HIGHEST)
    x2q = jnp.sum(xq * xq, axis=1, keepdims=True)
    x2k = jnp.sum(xt * xt, axis=0, keepdims=True)
    d2 = x2q + x2k - 2.0 * dot
    QB = d2.shape[0]
    gmin = jnp.min(d2.reshape(QB, NG, G), axis=2)
    giota = lax.broadcasted_iota(jnp.int32, gmin.shape, 1)
    acc0 = jnp.zeros((QB, K), jnp.int32)
    lane = lax.broadcasted_iota(jnp.int32, acc0.shape, 1)

    def step(tstep, carry):
        gm, acc = carry
        m = jnp.min(gm, axis=1, keepdims=True)
        j = jnp.min(jnp.where(gm <= m, giota, jnp.int32(2 ** 30)),
                    axis=1, keepdims=True)
        gm = jnp.where(giota == j, jnp.float32(3.0e38), gm)
        acc = jnp.where(lane == tstep, j, acc)
        return gm, acc

    _, acc = lax.fori_loop(0, K, step, (gmin, acc0))
    gid_ref[...] = acc + pl.program_id(0) * NG


def _run_knn_groups(xyz8, xyzT8):
    QB = 128
    return pl.pallas_call(
        _knn_groups_body,
        grid=(B, P // QB),
        in_specs=[
            pl.BlockSpec((None, QB, 8), lambda b, i: (b, i, 0)),
            pl.BlockSpec((None, 8, P), lambda b, i: (b, 0, 0)),
        ],
        out_specs=pl.BlockSpec((None, QB, K), lambda b, i: (b, i, 0)),
        out_shape=jax.ShapeDtypeStruct((B, P, K), jnp.int32),
        compiler_params=pltpu.CompilerParams(
            dimension_semantics=("parallel", "parallel")),
    )(xyz8, xyzT8)


def _knn_dist_body(g1_ref, xme_ref, gide_ref, d2_ref, cidx_ref):
    g = g1_ref[...]
    xm = xme_ref[...]
    acc = g[:, 3 * G:4 * G]
    for c in range(3):
        acc = acc + g[:, c * G:(c + 1) * G] * xm[:, c:c + 1]
    d2_ref[...] = acc
    piota = lax.broadcasted_iota(jnp.int32, acc.shape, 1)
    cidx_ref[...] = gide_ref[...] * G + piota


def _run_knn_dist(g1, xme, gide):
    QB = 128
    n = g1.shape[0]
    return pl.pallas_call(
        _knn_dist_body,
        grid=(n // (QB * K),),
        in_specs=[
            pl.BlockSpec((QB * K, 4 * G), lambda i: (i, 0)),
            pl.BlockSpec((QB * K, 4), lambda i: (i, 0)),
            pl.BlockSpec((QB * K, 1), lambda i: (i, 0)),
        ],
        out_specs=[
            pl.BlockSpec((QB * K, G), lambda i: (i, 0)),
            pl.BlockSpec((QB * K, G), lambda i: (i, 0)),
        ],
        out_shape=[
            jax.ShapeDtypeStruct((n, G), jnp.float32),
            jax.ShapeDtypeStruct((n, G), jnp.int32),
        ],
        compiler_params=pltpu.CompilerParams(
            dimension_semantics=("parallel",)),
    )(g1, xme, gide)


def _knn_select_body(d2_ref, cidx_ref, idx_ref):
    QB = idx_ref.shape[0]
    d2c = d2_ref[...]
    cidx = cidx_ref[...]
    acc0 = jnp.zeros((QB, K), jnp.int32)
    lane = lax.broadcasted_iota(jnp.int32, acc0.shape, 1)

    def step(tstep, carry):
        d2f, acc = carry
        m = jnp.min(d2f, axis=1, keepdims=True)
        j = jnp.min(jnp.where(d2f <= m, cidx, jnp.int32(2 ** 30)),
                    axis=1, keepdims=True)
        d2f = jnp.where(cidx == j, jnp.float32(3.0e38), d2f)
        acc = jnp.where(lane == tstep, j, acc)
        return d2f, acc

    _, acc = lax.fori_loop(0, K, step, (d2c, acc0))
    idx_ref[...] = acc


def _run_knn_select(d2r, cidxr):
    QB = 128
    n = d2r.shape[0]
    return pl.pallas_call(
        _knn_select_body,
        grid=(n // QB,),
        in_specs=[
            pl.BlockSpec((QB, K * G), lambda i: (i, 0)),
            pl.BlockSpec((QB, K * G), lambda i: (i, 0)),
        ],
        out_specs=pl.BlockSpec((QB, K), lambda i: (i, 0)),
        out_shape=jax.ShapeDtypeStruct((n, K), jnp.int32),
        compiler_params=pltpu.CompilerParams(
            dimension_semantics=("parallel",)),
    )(d2r, cidxr)



_NC, _NS = 2, 16
_NW = _NC * _NS
_CHUNK = 128


def _make_sc_gather(R, Dw):
    rows_per_w = R // _NW
    nchunk = rows_per_w // _CHUNK
    mesh = plsc.VectorSubcoreMesh(core_axis_name="c", subcore_axis_name="s")

    @functools.partial(
        pl.kernel,
        name=f"sc_gather_{R}_{Dw}",
        mesh=mesh,
        out_type=jax.ShapeDtypeStruct((R, Dw), jnp.float32),
        scratch_types=[
            pltpu.VMEM((_CHUNK,), jnp.int32),
            pltpu.VMEM((_CHUNK,), jnp.int32),
            pltpu.VMEM((_CHUNK, Dw), jnp.float32),
            pltpu.VMEM((_CHUNK, Dw), jnp.float32),
            pltpu.SemaphoreType.DMA,
            pltpu.SemaphoreType.DMA,
        ],
    )
    def gather_k(table_hbm, idx_hbm, out_hbm, idx_a, idx_b, rows_a, rows_b,
                 sem_a, sem_b):
        wid = lax.axis_index("s") * _NC + lax.axis_index("c")
        base0 = wid * nchunk * _CHUNK
        pltpu.sync_copy(idx_hbm.at[pl.ds(base0, _CHUNK)], idx_a)
        pltpu.make_async_copy(table_hbm.at[idx_a], rows_a, sem_a).start()

        def body(i, _):
            even = lax.rem(i, 2) == 0
            base_n = base0 + (i + 1) * _CHUNK

            def do(idx_c, rows_c, sem_c, idx_n, rows_n, sem_n):
                @pl.when(i + 1 < nchunk)
                def _():
                    pltpu.sync_copy(idx_hbm.at[pl.ds(base_n, _CHUNK)], idx_n)
                    pltpu.make_async_copy(table_hbm.at[idx_n], rows_n,
                                          sem_n).start()

                pltpu.make_async_copy(table_hbm.at[idx_c], rows_c, sem_c).wait()
                pltpu.sync_copy(
                    rows_c, out_hbm.at[pl.ds(base0 + i * _CHUNK, _CHUNK)])

            @pl.when(even)
            def _():
                do(idx_a, rows_a, sem_a, idx_b, rows_b, sem_b)

            @pl.when(jnp.logical_not(even))
            def _():
                do(idx_b, rows_b, sem_b, idx_a, rows_a, sem_a)

            return 0

        lax.fori_loop(0, nchunk, body, 0)

    return gather_k




def _attn_body(g_ref, q_ref, tab_ref, wp2_ref, b2_ref, b1_ref,
               wproj_ref, bproj_ref, o_ref):
    QD = q_ref.shape[0]
    g = g_ref[...]
    k_nei = g[:, 0:D]
    v_nei = g[:, D:2 * D]
    t_nei = g[:, 2 * D:3 * D].reshape(QD, K, D)
    tq = tab_ref[:, 2 * D:3 * D]
    hid = jnp.maximum(t_nei - tq[:, None, :] + b1_ref[...], 0.0)
    pos = jnp.dot(hid.reshape(QD * K, D), wp2_ref[...],
                  preferred_element_type=jnp.float32) + b2_ref[...]
    q = q_ref[...]
    s = (k_nei + pos).reshape(QD, K, D) * q[:, None, :]
    ci = lax.broadcasted_iota(jnp.int32, (D, H), 0)
    hi = lax.broadcasted_iota(jnp.int32, (D, H), 1)
    eh = jnp.where(ci // DH == hi, jnp.float32(1), jnp.float32(0))
    logits = jnp.dot(s.reshape(QD * K, D), eh,
                     preferred_element_type=jnp.float32)
    logits = logits.reshape(QD, K, H) * SCALE
    m = jnp.max(logits, axis=1, keepdims=True)
    e = jnp.exp(logits - m)
    a = e / jnp.sum(e, axis=1, keepdims=True)
    cit = lax.broadcasted_iota(jnp.int32, (H, D), 0)
    hit = lax.broadcasted_iota(jnp.int32, (H, D), 1)
    eht = jnp.where(hit // DH == cit, jnp.float32(1), jnp.float32(0))
    a128 = jnp.dot(a.reshape(QD * K, H), eht,
                   preferred_element_type=jnp.float32).reshape(QD, K, D)
    o = jnp.sum(a128 * ((v_nei + pos).reshape(QD, K, D)), axis=1)
    o_ref[...] = jnp.dot(o, wproj_ref[...],
                         preferred_element_type=jnp.float32) + bproj_ref[...]


def _run_attn(g, q2, tab, Wp2, b2r, b1r, Wproj, bprojr):
    QD = 128
    n = q2.shape[0]
    return pl.pallas_call(
        _attn_body,
        grid=(n // QD,),
        in_specs=[
            pl.BlockSpec((QD * K, 3 * D), lambda i: (i, 0)),
            pl.BlockSpec((QD, D), lambda i: (i, 0)),
            pl.BlockSpec((QD, 3 * D), lambda i: (i, 0)),
            pl.BlockSpec((D, D), lambda i: (0, 0)),
            pl.BlockSpec((1, D), lambda i: (0, 0)),
            pl.BlockSpec((1, D), lambda i: (0, 0)),
            pl.BlockSpec((D, D), lambda i: (0, 0)),
            pl.BlockSpec((1, D), lambda i: (0, 0)),
        ],
        out_specs=pl.BlockSpec((QD, D), lambda i: (i, 0)),
        out_shape=jax.ShapeDtypeStruct((n, D), jnp.float32),
        compiler_params=pltpu.CompilerParams(
            dimension_semantics=("parallel",)),
    )(g, q2, tab, Wp2, b2r, b1r, Wproj, bprojr)




def kernel(xyz, feats, Wq, Wk, Wv, Wproj, bproj, Wp1, bp1, Wp2, bp2):
    pad = jnp.zeros((B, P, 5), xyz.dtype)
    xyz8 = jnp.concatenate([xyz, pad], axis=-1)
    xyzT8 = jnp.swapaxes(xyz8, 1, 2)
    Wp1p = jnp.concatenate([Wp1, jnp.zeros((5, D), Wp1.dtype)], axis=0)

    feats2 = feats.reshape(B * P, D)
    xyz8f = xyz8.reshape(B * P, 8)

    q2, tab = _run_proj(feats2, xyz8f, Wq, Wk, Wv, Wp1p)
    idx = _run_knn(xyz8, xyzT8)
    g = _make_sc_gather(B * P * K, 3 * D)(tab, idx.reshape(B * P * K))
    out = _run_attn(g, q2, tab, Wp2, bp2.reshape(1, D), bp1.reshape(1, D),
                    Wproj, bproj.reshape(1, D))
    return out.reshape(B, P, D)

# --- scband reference (transcript-rebuilt; emitter-appended) ---
"""Pipeline reference for scband-local-self-attention-8813272891488 (READ-ONLY COPY).

The authoritative reference and input builder live on the scoring server;
editing this copy changes nothing except your own understanding.
"""

import jax, jax.numpy as jnp
import numpy as np

HEADS = 8
KNN = 32


def _gather(points, idx):
    # points: (B, N, C), idx: (B, M, K) -> (B, M, K, C)
    return jax.vmap(lambda p, i: p[i])(points, idx)


def setup_inputs(seed: int = 0) -> dict:
    key = jax.random.key(seed)
    ks = jax.random.split(key, 12)
    B, P, D = 2, 8192, 128
    xyz = jax.random.normal(ks[0], (B, P, 3), dtype=jnp.float32)
    feats = jax.random.normal(ks[1], (B, P, D), dtype=jnp.float32)
    s = D ** -0.5
    Wq = jax.random.normal(ks[2], (D, D), dtype=jnp.float32) * s
    Wk = jax.random.normal(ks[3], (D, D), dtype=jnp.float32) * s
    Wv = jax.random.normal(ks[4], (D, D), dtype=jnp.float32) * s
    Wproj = jax.random.normal(ks[5], (D, D), dtype=jnp.float32) * s
    bproj = jnp.zeros((D,), dtype=jnp.float32)
    Wp1 = jax.random.normal(ks[6], (3, D), dtype=jnp.float32) * (3 ** -0.5)
    bp1 = jnp.zeros((D,), dtype=jnp.float32)
    Wp2 = jax.random.normal(ks[7], (D, D), dtype=jnp.float32) * s
    bp2 = jnp.zeros((D,), dtype=jnp.float32)
    return {"xyz": xyz, "feats": feats, "Wq": Wq, "Wk": Wk, "Wv": Wv,
            "Wproj": Wproj, "bproj": bproj, "Wp1": Wp1, "bp1": bp1,
            "Wp2": Wp2, "bp2": bp2}


def reference(xyz, feats, Wq, Wk, Wv, Wproj, bproj, Wp1, bp1, Wp2, bp2):
    B, P, D = feats.shape
    H = HEADS
    dh = D // H
    k = min(KNN, P)
    scale = dh ** (-0.5)

    # knn_indices via squared distances (same argmin ordering as torch.cdist)
    x2 = jnp.sum(xyz * xyz, axis=-1)
    d2 = x2[:, :, None] + x2[:, None, :] - 2.0 * jnp.einsum('bnc,bmc->bnm', xyz, xyz)
    _, idx = jax.lax.top_k(-d2, k)  # (B, P, k) smallest distances

    neigh_xyz = _gather(xyz, idx)                  # (B, P, k, 3)
    relpos = neigh_xyz - xyz[:, :, None, :]        # (B, P, k, 3)

    q = (feats @ Wq).reshape(B, P, H, dh)
    k_full = feats @ Wk                            # (B, P, D)
    v_full = feats @ Wv
    k_nei = _gather(k_full, idx).reshape(B, P, k, H, dh)
    v_nei = _gather(v_full, idx).reshape(B, P, k, H, dh)

    pos_bias = jnp.maximum(relpos @ Wp1 + bp1, 0.0) @ Wp2 + bp2
    pos_bias = pos_bias.reshape(B, P, k, H, dh)

    qe = q[:, :, None, :, :]                       # (B, P, 1, H, dh)
    attn = jnp.sum(qe * (k_nei + pos_bias), axis=-1) * scale  # (B, P, k, H)
    attn = jax.nn.softmax(attn, axis=2)
    out = jnp.sum(attn[..., None] * (v_nei + pos_bias), axis=2)  # (B, P, H, dh)
    out = out.reshape(B, P, D)
    return out @ Wproj + bproj

if __name__ == "__main__":
    import jax
    _d = setup_inputs()
    print(jax.jit(kernel)(*tuple(_d.values())))

</pallas_src>

<mosaic_0001>
#map = affine_map<(d0, d1) -> (0, 0)>
#map1 = affine_map<(d0, d1) -> (0)>
module attributes {stable_mosaic.version = 14 : i64} {
  func.func @sc_gather_524288_384(%arg0: i32, %arg1: i32, %arg2: memref<16384x384xf32, #tpu.memory_space<hbm>>, %arg3: memref<524288xi32, #tpu.memory_space<hbm>>, %arg4: memref<524288x384xf32, #tpu.memory_space<hbm>>, %arg5: memref<128xi32, #tpu.memory_space<vmem>>, %arg6: memref<128xi32, #tpu.memory_space<vmem>>, %arg7: memref<128x384xf32, #tpu.memory_space<vmem>>, %arg8: memref<128x384xf32, #tpu.memory_space<vmem>>, %arg9: memref<!tpu.dma_semaphore, #tpu.memory_space<semaphore_mem>>, %arg10: memref<!tpu.dma_semaphore, #tpu.memory_space<semaphore_mem>>) attributes {dimension_semantics = [#tpu.dimension_semantics<core_parallel>, #tpu.dimension_semantics<subcore_parallel>], iteration_bounds = array<i64: 2, 16>, scalar_prefetch = 0 : i64, scratch_operands = 6 : i64, tpu.core_type = #tpu.core_type<sc_vector_subcore>, window_params = [{transform_indices = #map}, {transform_indices = #map1}, {transform_indices = #map}]} {
    %mul3A = arith.constant 2 : i32
    %mul3A_0 = arith.muli %arg1, %mul3A : i32
    %add3A = arith.addi %mul3A_0, %arg0 : i32
    %mul3A_1 = arith.constant 128 : i32
    %mul3A_2 = arith.muli %add3A, %mul3A_1 : i32
    %mul3A_3 = arith.constant 128 : i32
    %mul3A_4 = arith.muli %mul3A_2, %mul3A_3 : i32
    "tpu.region"() ({
      %run_scoped3A = tpu.sem_alloc : memref<!tpu.dma_semaphore, #tpu.memory_space<semaphore_mem>>
      %dma_start3A_13 = tpu.memref_slice %arg3[%mul3A_4] : memref<524288xi32, #tpu.memory_space<hbm>> -> memref<128xi32, #tpu.memory_space<hbm>>
      %dma_start3A_14 = tpu.memref_slice %arg3[%mul3A_4] : memref<524288xi32, #tpu.memory_space<hbm>> -> memref<128xi32, #tpu.memory_space<hbm>>
      tpu.enqueue_dma source(%dma_start3A_14 : memref<128xi32, #tpu.memory_space<hbm>>) target(%arg5 : memref<128xi32, #tpu.memory_space<vmem>>) target_semaphore(%run_scoped3A : memref<!tpu.dma_semaphore, #tpu.memory_space<semaphore_mem>>)
      %dma_wait3A = tpu.memref_slice %arg3[%mul3A_4] : memref<524288xi32, #tpu.memory_space<hbm>> -> memref<128xi32, #tpu.memory_space<hbm>>
      %dma_wait3A_15 = tpu.memref_slice %arg3[%mul3A_4] : memref<524288xi32, #tpu.memory_space<hbm>> -> memref<128xi32, #tpu.memory_space<hbm>>
      tpu.wait_dma2 semaphore(%run_scoped3A : memref<!tpu.dma_semaphore, #tpu.memory_space<semaphore_mem>>) src(%dma_wait3A_15 : memref<128xi32, #tpu.memory_space<hbm>>) dst(%arg5 : memref<128xi32, #tpu.memory_space<vmem>>)
      tpu.yield
    }) : () -> ()
    %dma_start3A = arith.constant 0 : i32
    %dma_start3A_5 = arith.constant 0 : i32
    %dma_start3A_6 = tpu.memref_slice %arg2[%dma_start3A, %dma_start3A_5] : memref<16384x384xf32, #tpu.memory_space<hbm>> -> memref<16384x384xf32, #tpu.memory_space<hbm>>
    tpu.enqueue_indirect_dma source(%dma_start3A_6 : memref<16384x384xf32, #tpu.memory_space<hbm>>) target(%arg7 : memref<128x384xf32, #tpu.memory_space<vmem>>) offsets(%arg5 : memref<128xi32, #tpu.memory_space<vmem>>) semaphore(%arg9 : memref<!tpu.dma_semaphore, #tpu.memory_space<semaphore_mem>>)
    %scan3A = arith.constant 0 : i32
    %scan3A_7 = arith.constant 0 : i32
    %scan3A_8 = arith.constant 128 : i32
    %scan3A_9 = arith.addi %scan3A_7, %scan3A_8 : i32
    %scan3A_10 = arith.constant 1 : i32
    %scan3A_11 = scf.for %scan3A_13 = %scan3A_7 to %scan3A_9 step %scan3A_10 iter_args(%scan3A_14 = %scan3A) -> (i32)  : i32 {
      %rem3A = arith.constant 2 : i32
      %rem3A_15 = arith.remsi %scan3A_13, %rem3A : i32
      %eq3A = arith.constant 0 : i32
      %eq3A_16 = arith.cmpi eq, %rem3A_15, %eq3A : i32
      %add3A_17 = arith.constant 1 : i32
      %add3A_18 = arith.addi %scan3A_13, %add3A_17 : i32
      %mul3A_19 = arith.constant 128 : i32
      %mul3A_20 = arith.muli %add3A_18, %mul3A_19 : i32
      %add3A_21 = arith.addi %mul3A_4, %mul3A_20 : i32
      %convert_element_type3A = arith.extui %eq3A_16 : i1 to i32
      %cond3A = arith.constant 0 : i32
      %cond3A_22 = arith.cmpi ne, %convert_element_type3A, %cond3A : i32
      scf.if %cond3A_22 {
        %add3A_28 = arith.constant 1 : i32
        %add3A_29 = arith.addi %scan3A_13, %add3A_28 : i32
        %lt3A = arith.constant 128 : i32
        %lt3A_30 = arith.cmpi slt, %add3A_29, %lt3A : i32
        %convert_element_type3A_31 = arith.extui %lt3A_30 : i1 to i32
        %cond3A_32 = arith.constant 0 : i32
        %cond3A_33 = arith.cmpi ne, %convert_element_type3A_31, %cond3A_32 : i32
        scf.if %cond3A_33 {
          "tpu.region"() ({
            %run_scoped3A = tpu.sem_alloc : memref<!tpu.dma_semaphore, #tpu.memory_space<semaphore_mem>>
            %dma_start3A_42 = tpu.memref_slice %arg3[%add3A_21] : memref<524288xi32, #tpu.memory_space<hbm>> -> memref<128xi32, #tpu.memory_space<hbm>>
            %dma_start3A_43 = tpu.memref_slice %arg3[%add3A_21] : memref<524288xi32, #tpu.memory_space<hbm>> -> memref<128xi32, #tpu.memory_space<hbm>>
            tpu.enqueue_dma source(%dma_start3A_43 : memref<128xi32, #tpu.memory_space<hbm>>) target(%arg6 : memref<128xi32, #tpu.memory_space<vmem>>) target_semaphore(%run_scoped3A : memref<!tpu.dma_semaphore, #tpu.memory_space<semaphore_mem>>)
            %dma_wait3A_44 = tpu.memref_slice %arg3[%add3A_21] : memref<524288xi32, #tpu.memory_space<hbm>> -> memref<128xi32, #tpu.memory_space<hbm>>
            %dma_wait3A_45 = tpu.memref_slice %arg3[%add3A_21] : memref<524288xi32, #tpu.memory_space<hbm>> -> memref<128xi32, #tpu.memory_space<hbm>>
            tpu.wait_dma2 semaphore(%run_scoped3A : memref<!tpu.dma_semaphore, #tpu.memory_space<semaphore_mem>>) src(%dma_wait3A_45 : memref<128xi32, #tpu.memory_space<hbm>>) dst(%arg6 : memref<128xi32, #tpu.memory_space<vmem>>)
            tpu.yield
          }) : () -> ()
          %dma_start3A_39 = arith.constant 0 : i32
          %dma_start3A_40 = arith.constant 0 : i32
          %dma_start3A_41 = tpu.memref_slice %arg2[%dma_start3A_39, %dma_start3A_40] : memref<16384x384xf32, #tpu.memory_space<hbm>> -> memref<16384x384xf32, #tpu.memory_space<hbm>>
          tpu.enqueue_indirect_dma source(%dma_start3A_41 : memref<16384x384xf32, #tpu.memory_space<hbm>>) target(%arg8 : memref<128x384xf32, #tpu.memory_space<vmem>>) offsets(%arg6 : memref<128xi32, #tpu.memory_space<vmem>>) semaphore(%arg10 : memref<!tpu.dma_semaphore, #tpu.memory_space<semaphore_mem>>)
        } else {
        }
        %dma_wait3A = arith.constant 0 : i32
        %dma_wait3A_34 = arith.constant 0 : i32
        %dma_wait3A_35 = tpu.memref_slice %arg2[%dma_wait3A, %dma_wait3A_34] : memref<16384x384xf32, #tpu.memory_space<hbm>> -> memref<16384x384xf32, #tpu.memory_space<hbm>>
        tpu.wait_indirect_dma semaphore(%arg9 : memref<!tpu.dma_semaphore, #tpu.memory_space<semaphore_mem>>) src(%dma_wait3A_35 : memref<16384x384xf32, #tpu.memory_space<hbm>>) dst(%arg7 : memref<128x384xf32, #tpu.memory_space<vmem>>)
        %mul3A_36 = arith.constant 128 : i32
        %mul3A_37 = arith.muli %scan3A_13, %mul3A_36 : i32
        %add3A_38 = arith.addi %mul3A_4, %mul3A_37 : i32
        "tpu.region"() ({
          %run_scoped3A = tpu.sem_alloc : memref<!tpu.dma_semaphore, #tpu.memory_space<semaphore_mem>>
          %dma_start3A_39 = arith.constant 0 : i32
          %dma_start3A_40 = tpu.memref_slice %arg4[%add3A_38, %dma_start3A_39] : memref<524288x384xf32, #tpu.memory_space<hbm>> -> memref<128x384xf32, #tpu.memory_space<hbm>>
          %dma_start3A_41 = arith.constant 0 : i32
          %dma_start3A_42 = tpu.memref_slice %arg4[%add3A_38, %dma_start3A_41] : memref<524288x384xf32, #tpu.memory_space<hbm>> -> memref<128x384xf32, #tpu.memory_space<hbm>>
          tpu.enqueue_dma source(%arg7 : memref<128x384xf32, #tpu.memory_space<vmem>>) target(%dma_start3A_42 : memref<128x384xf32, #tpu.memory_space<hbm>>) target_semaphore(%run_scoped3A : memref<!tpu.dma_semaphore, #tpu.memory_space<semaphore_mem>>)
          %dma_wait3A_43 = arith.constant 0 : i32
          %dma_wait3A_44 = tpu.memref_slice %arg4[%add3A_38, %dma_wait3A_43] : memref<524288x384xf32, #tpu.memory_space<hbm>> -> memref<128x384xf32, #tpu.memory_space<hbm>>
          %dma_wait3A_45 = arith.constant 0 : i32
          %dma_wait3A_46 = tpu.memref_slice %arg4[%add3A_38, %dma_wait3A_45] : memref<524288x384xf32, #tpu.memory_space<hbm>> -> memref<128x384xf32, #tpu.memory_space<hbm>>
          tpu.wait_dma2 semaphore(%run_scoped3A : memref<!tpu.dma_semaphore, #tpu.memory_space<semaphore_mem>>) src(%arg7 : memref<128x384xf32, #tpu.memory_space<vmem>>) dst(%dma_wait3A_46 : memref<128x384xf32, #tpu.memory_space<hbm>>)
          tpu.yield
        }) : () -> ()
      } else {
      }
      %not3A = arith.constant true
      %not3A_23 = arith.xori %eq3A_16, %not3A : i1
      %convert_element_type3A_24 = arith.extui %not3A_23 : i1 to i32
      %cond3A_25 = arith.constant 0 : i32
      %cond3A_26 = arith.cmpi ne, %convert_element_type3A_24, %cond3A_25 : i32
      scf.if %cond3A_26 {
        %add3A_28 = arith.constant 1 : i32
        %add3A_29 = arith.addi %scan3A_13, %add3A_28 : i32
        %lt3A = arith.constant 128 : i32
        %lt3A_30 = arith.cmpi slt, %add3A_29, %lt3A : i32
        %convert_element_type3A_31 = arith.extui %lt3A_30 : i1 to i32
        %cond3A_32 = arith.constant 0 : i32
        %cond3A_33 = arith.cmpi ne, %convert_element_type3A_31, %cond3A_32 : i32
        scf.if %cond3A_33 {
          "tpu.region"() ({
            %run_scoped3A = tpu.sem_alloc : memref<!tpu.dma_semaphore, #tpu.memory_space<semaphore_mem>>
            %dma_start3A_42 = tpu.memref_slice %arg3[%add3A_21] : memref<524288xi32, #tpu.memory_space<hbm>> -> memref<128xi32, #tpu.memory_space<hbm>>
            %dma_start3A_43 = tpu.memref_slice %arg3[%add3A_21] : memref<524288xi32, #tpu.memory_space<hbm>> -> memref<128xi32, #tpu.memory_space<hbm>>
            tpu.enqueue_dma source(%dma_start3A_43 : memref<128xi32, #tpu.memory_space<hbm>>) target(%arg5 : memref<128xi32, #tpu.memory_space<vmem>>) target_semaphore(%run_scoped3A : memref<!tpu.dma_semaphore, #tpu.memory_space<semaphore_mem>>)
            %dma_wait3A_44 = tpu.memref_slice %arg3[%add3A_21] : memref<524288xi32, #tpu.memory_space<hbm>> -> memref<128xi32, #tpu.memory_space<hbm>>
            %dma_wait3A_45 = tpu.memref_slice %arg3[%add3A_21] : memref<524288xi32, #tpu.memory_space<hbm>> -> memref<128xi32, #tpu.memory_space<hbm>>
            tpu.wait_dma2 semaphore(%run_scoped3A : memref<!tpu.dma_semaphore, #tpu.memory_space<semaphore_mem>>) src(%dma_wait3A_45 : memref<128xi32, #tpu.memory_space<hbm>>) dst(%arg5 : memref<128xi32, #tpu.memory_space<vmem>>)
            tpu.yield
          }) : () -> ()
          %dma_start3A_39 = arith.constant 0 : i32
          %dma_start3A_40 = arith.constant 0 : i32
          %dma_start3A_41 = tpu.memref_slice %arg2[%dma_start3A_39, %dma_start3A_40] : memref<16384x384xf32, #tpu.memory_space<hbm>> -> memref<16384x384xf32, #tpu.memory_space<hbm>>
          tpu.enqueue_indirect_dma source(%dma_start3A_41 : memref<16384x384xf32, #tpu.memory_space<hbm>>) target(%arg7 : memref<128x384xf32, #tpu.memory_space<vmem>>) offsets(%arg5 : memref<128xi32, #tpu.memory_space<vmem>>) semaphore(%arg9 : memref<!tpu.dma_semaphore, #tpu.memory_space<semaphore_mem>>)
        } else {
        }
        %dma_wait3A = arith.constant 0 : i32
        %dma_wait3A_34 = arith.constant 0 : i32
        %dma_wait3A_35 = tpu.memref_slice %arg2[%dma_wait3A, %dma_wait3A_34] : memref<16384x384xf32, #tpu.memory_space<hbm>> -> memref<16384x384xf32, #tpu.memory_space<hbm>>
        tpu.wait_indirect_dma semaphore(%arg10 : memref<!tpu.dma_semaphore, #tpu.memory_space<semaphore_mem>>) src(%dma_wait3A_35 : memref<16384x384xf32, #tpu.memory_space<hbm>>) dst(%arg8 : memref<128x384xf32, #tpu.memory_space<vmem>>)
        %mul3A_36 = arith.constant 128 : i32
        %mul3A_37 = arith.muli %scan3A_13, %mul3A_36 : i32
        %add3A_38 = arith.addi %mul3A_4, %mul3A_37 : i32
        "tpu.region"() ({
          %run_scoped3A = tpu.sem_alloc : memref<!tpu.dma_semaphore, #tpu.memory_space<semaphore_mem>>
          %dma_start3A_39 = arith.constant 0 : i32
          %dma_start3A_40 = tpu.memref_slice %arg4[%add3A_38, %dma_start3A_39] : memref<524288x384xf32, #tpu.memory_space<hbm>> -> memref<128x384xf32, #tpu.memory_space<hbm>>
          %dma_start3A_41 = arith.constant 0 : i32
          %dma_start3A_42 = tpu.memref_slice %arg4[%add3A_38, %dma_start3A_41] : memref<524288x384xf32, #tpu.memory_space<hbm>> -> memref<128x384xf32, #tpu.memory_space<hbm>>
          tpu.enqueue_dma source(%arg8 : memref<128x384xf32, #tpu.memory_space<vmem>>) target(%dma_start3A_42 : memref<128x384xf32, #tpu.memory_space<hbm>>) target_semaphore(%run_scoped3A : memref<!tpu.dma_semaphore, #tpu.memory_space<semaphore_mem>>)
          %dma_wait3A_43 = arith.constant 0 : i32
          %dma_wait3A_44 = tpu.memref_slice %arg4[%add3A_38, %dma_wait3A_43] : memref<524288x384xf32, #tpu.memory_space<hbm>> -> memref<128x384xf32, #tpu.memory_space<hbm>>
          %dma_wait3A_45 = arith.constant 0 : i32
          %dma_wait3A_46 = tpu.memref_slice %arg4[%add3A_38, %dma_wait3A_45] : memref<524288x384xf32, #tpu.memory_space<hbm>> -> memref<128x384xf32, #tpu.memory_space<hbm>>
          tpu.wait_dma2 semaphore(%run_scoped3A : memref<!tpu.dma_semaphore, #tpu.memory_space<semaphore_mem>>) src(%arg8 : memref<128x384xf32, #tpu.memory_space<vmem>>) dst(%dma_wait3A_46 : memref<128x384xf32, #tpu.memory_space<hbm>>)
          tpu.yield
        }) : () -> ()
      } else {
      }
      %scan3A_27 = arith.constant 0 : i32
      scf.yield %scan3A_27 : i32
    }
    %scan3A_12 = arith.constant 128 : i32
    return
  }
}

module attributes {stable_mosaic.version = 14 : i64} {
  func.func @_knn_body(%arg0: i32, %arg1: i32, %arg2: memref<1x128x8xf32, #tpu.memory_space<vmem>>, %arg3: memref<1x8x8192xf32, #tpu.memory_space<vmem>>, %arg4: memref<1x128x32xi32, #tpu.memory_space<vmem>>) attributes {dimension_semantics = [#tpu.dimension_semantics<parallel>, #tpu.dimension_semantics<parallel>], iteration_bounds = array<i64: 2, 64>, scalar_prefetch = 0 : i64, scratch_operands = 0 : i64, tpu.core_type = #tpu.core_type<tc>, window_params = [{transform_indices = @transform_0, window_bounds = array<i64: 1, 128, 8>}, {transform_indices = @transform_1, window_bounds = array<i64: 1, 8, 8192>}, {transform_indices = @transform_2, window_bounds = array<i64: 1, 128, 32>}]} {
    %get3A = arith.constant 0 : index
    %get3A_0 = arith.constant 0 : index
    %get3A_1 = arith.constant 0 : index
    %get3A_2 = vector.load %arg2[%get3A, %get3A_0, %get3A_1] : memref<1x128x8xf32, #tpu.memory_space<vmem>>, vector<1x128x8xf32>
    %get3A_3 = vector.shape_cast %get3A_2 : vector<1x128x8xf32> to vector<128x8xf32>
    %get3A_4 = arith.constant 0 : index
    %get3A_5 = arith.constant 0 : index
    %get3A_6 = arith.constant 0 : index
    %get3A_7 = vector.load %arg3[%get3A_4, %get3A_5, %get3A_6] : memref<1x8x8192xf32, #tpu.memory_space<vmem>>, vector<1x8x8192xf32>
    %get3A_8 = vector.shape_cast %get3A_7 : vector<1x8x8192xf32> to vector<8x8192xf32>
    %dot_general3A = arith.constant dense<0.000000e+00> : vector<128x8192xf32>
    %dot_general3A_9 = tpu.matmul %get3A_3, %get3A_8, %dot_general3A {dimension_numbers = #tpu.dot_dimension_numbers<[1], [0], [0], [1], [0, 0, 1, 1], [], []>, transpose_lhs_hint = false} : vector<128x8xf32>, vector<8x8192xf32>, vector<128x8192xf32> -> vector<128x8192xf32>
    %mul3A = arith.mulf %get3A_3, %get3A_3 : vector<128x8xf32>
    %reduce_sum3A = arith.constant dense<0.000000e+00> : vector<128xf32>
    %reduce_sum3A_10 = vector.multi_reduction <add>, %mul3A, %reduce_sum3A [1] : vector<128x8xf32> to vector<128xf32>
    %broadcast_in_dim3A = vector.shape_cast %reduce_sum3A_10 : vector<128xf32> to vector<128x1xf32>
    %mul3A_11 = arith.mulf %get3A_8, %get3A_8 : vector<8x8192xf32>
    %reduce_sum3A_12 = arith.constant dense<0.000000e+00> : vector<8192xf32>
    %reduce_sum3A_13 = vector.multi_reduction <add>, %mul3A_11, %reduce_sum3A_12 [0] : vector<8x8192xf32> to vector<8192xf32>
    %broadcast_in_dim3A_14 = vector.shape_cast %reduce_sum3A_13 : vector<8192xf32> to vector<1x8192xf32>
    %add3A = vector.broadcast %broadcast_in_dim3A : vector<128x1xf32> to vector<128x8192xf32>
    %add3A_15 = vector.broadcast %broadcast_in_dim3A_14 : vector<1x8192xf32> to vector<128x8192xf32>
    %add3A_16 = arith.addf %add3A, %add3A_15 : vector<128x8192xf32>
    %mul3A_17 = arith.constant 2.000000e+00 : f32
    %mul3A_18 = vector.broadcast %mul3A_17 : f32 to vector<128x8192xf32>
    %mul3A_19 = arith.mulf %mul3A_18, %dot_general3A_9 : vector<128x8192xf32>
    %sub3A = arith.subf %add3A_16, %mul3A_19 : vector<128x8192xf32>
    %iota3A = tpu.iota {dimensions = array<i32: 1>} : vector<128x8192xi32>
    %broadcast_in_dim3A_20 = arith.constant 0 : i32
    %broadcast_in_dim3A_21 = vector.broadcast %broadcast_in_dim3A_20 : i32 to vector<128x32xi32>
    %iota3A_22 = tpu.iota {dimensions = array<i32: 1>} : vector<128x32xi32>
    %scan3A = arith.constant 0 : i32
    %scan3A_23 = arith.constant 32 : i32
    %scan3A_24 = arith.addi %scan3A, %scan3A_23 : i32
    %scan3A_25 = arith.constant 1 : i32
    %scan3A_26:2 = scf.for %scan3A_37 = %scan3A to %scan3A_24 step %scan3A_25 iter_args(%scan3A_38 = %sub3A, %scan3A_39 = %broadcast_in_dim3A_21) -> (vector<128x8192xf32>, vector<128x32xi32>)  : i32 {
      %reduce_min3A = arith.constant dense<0x7F800000> : vector<128xf32>
      %reduce_min3A_40 = vector.multi_reduction <minimumf>, %scan3A_38, %reduce_min3A [1] : vector<128x8192xf32> to vector<128xf32>
      %broadcast_in_dim3A_41 = vector.shape_cast %reduce_min3A_40 : vector<128xf32> to vector<128x1xf32>
      %le3A = vector.broadcast %broadcast_in_dim3A_41 : vector<128x1xf32> to vector<128x8192xf32>
      %le3A_42 = arith.cmpf ole, %scan3A_38, %le3A : vector<128x8192xf32>
      %jit3A = arith.constant 1073741824 : i32
      %broadcast_in_dim3A_43 = vector.broadcast %jit3A : i32 to vector<128x8192xi32>
      %select_n3A = arith.select %le3A_42, %iota3A, %broadcast_in_dim3A_43 : vector<128x8192xi1>, vector<128x8192xi32>
      %reduce_min3A_44 = arith.constant dense<2147483647> : vector<128xi32>
      %reduce_min3A_45 = vector.multi_reduction <minsi>, %select_n3A, %reduce_min3A_44 [1] : vector<128x8192xi32> to vector<128xi32>
      %broadcast_in_dim3A_46 = vector.shape_cast %reduce_min3A_45 : vector<128xi32> to vector<128x1xi32>
      %eq3A = vector.broadcast %broadcast_in_dim3A_46 : vector<128x1xi32> to vector<128x8192xi32>
      %eq3A_47 = arith.cmpi eq, %iota3A, %eq3A : vector<128x8192xi32>
      %jit3A_48 = arith.constant 3.000000e+38 : f32
      %broadcast_in_dim3A_49 = vector.broadcast %jit3A_48 : f32 to vector<128x8192xf32>
      %select_n3A_50 = arith.select %eq3A_47, %broadcast_in_dim3A_49, %scan3A_38 : vector<128x8192xi1>, vector<128x8192xf32>
      %eq3A_51 = vector.broadcast %scan3A_37 : i32 to vector<128x32xi32>
      %eq3A_52 = arith.cmpi eq, %iota3A_22, %eq3A_51 : vector<128x32xi32>
      %broadcast_in_dim3A_53 = vector.shape_cast %broadcast_in_dim3A_46 : vector<128x1xi32> to vector<128x1xi32>
      %broadcast_in_dim3A_54 = vector.broadcast %broadcast_in_dim3A_53 : vector<128x1xi32> to vector<128x32xi32>
      %select_n3A_55 = arith.select %eq3A_52, %broadcast_in_dim3A_54, %scan3A_39 : vector<128x32xi1>, vector<128x32xi32>
      scf.yield %select_n3A_50, %select_n3A_55 : vector<128x8192xf32>, vector<128x32xi32>
    }
    %scan3A_27 = arith.constant 32 : i32
    %mul3A_28 = arith.constant 8192 : i32
    %mul3A_29 = arith.muli %arg0, %mul3A_28 : i32
    %add3A_30 = vector.broadcast %mul3A_29 : i32 to vector<128x32xi32>
    %add3A_31 = arith.addi %scan3A_26#1, %add3A_30 : vector<128x32xi32>
    %swap3A = arith.constant 0 : index
    %swap3A_32 = arith.constant 0 : index
    %swap3A_33 = arith.constant 0 : index
    %swap3A_34 = vector.load %arg4[%swap3A, %swap3A_32, %swap3A_33] : memref<1x128x32xi32, #tpu.memory_space<vmem>>, vector<1x128x32xi32>
    %swap3A_35 = vector.shape_cast %swap3A_34 : vector<1x128x32xi32> to vector<128x32xi32>
    %swap3A_36 = vector.shape_cast %add3A_31 : vector<128x32xi32> to vector<1x128x32xi32>
    tpu.vector_store %arg4[%swap3A, %swap3A_32, %swap3A_33], %swap3A_36 {strides = array<i32>} : memref<1x128x32xi32, #tpu.memory_space<vmem>>, vector<1x128x32xi32>,
    return
  }
  func.func @transform_0(%arg0: i32, %arg1: i32) -> (i32, i32, i32) {
    %c0_i32 = arith.constant 0 : i32
    %c0_i32_0 = arith.constant 0 : i32
    return %arg0, %arg1, %c0_i32 : i32, i32, i32
  }
  func.func @transform_1(%arg0: i32, %arg1: i32) -> (i32, i32, i32) {
    %c0_i32 = arith.constant 0 : i32
    %c0_i32_0 = arith.constant 0 : i32
    %c0_i32_1 = arith.constant 0 : i32
    return %arg0, %c0_i32, %c0_i32_0 : i32, i32, i32
  }
  func.func @transform_2(%arg0: i32, %arg1: i32) -> (i32, i32, i32) {
    %c0_i32 = arith.constant 0 : i32
    %c0_i32_0 = arith.constant 0 : i32
    return %arg0, %arg1, %c0_i32 : i32, i32, i32
  }
}

module attributes {stable_mosaic.version = 14 : i64} {
  func.func @_proj_body(%arg0: i32, %arg1: memref<1024x128xf32, #tpu.memory_space<vmem>>, %arg2: memref<1024x8xf32, #tpu.memory_space<vmem>>, %arg3: memref<128x128xf32, #tpu.memory_space<vmem>>, %arg4: memref<128x128xf32, #tpu.memory_space<vmem>>, %arg5: memref<128x128xf32, #tpu.memory_space<vmem>>, %arg6: memref<8x128xf32, #tpu.memory_space<vmem>>, %arg7: memref<1024x128xf32, #tpu.memory_space<vmem>>, %arg8: memref<1024x384xf32, #tpu.memory_space<vmem>>) attributes {dimension_semantics = [#tpu.dimension_semantics<parallel>], iteration_bounds = array<i64: 16>, scalar_prefetch = 0 : i64, scratch_operands = 0 : i64, tpu.core_type = #tpu.core_type<tc>, window_params = [{transform_indices = @transform_0, window_bounds = array<i64: 1024, 128>}, {transform_indices = @transform_1, window_bounds = array<i64: 1024, 8>}, {pipeline_mode = #tpu.pipeline_mode<synchronous>, transform_indices = @transform_2, window_bounds = array<i64: 128, 128>}, {pipeline_mode = #tpu.pipeline_mode<synchronous>, transform_indices = @transform_3, window_bounds = array<i64: 128, 128>}, {pipeline_mode = #tpu.pipeline_mode<synchronous>, transform_indices = @transform_4, window_bounds = array<i64: 128, 128>}, {pipeline_mode = #tpu.pipeline_mode<synchronous>, transform_indices = @transform_5, window_bounds = array<i64: 8, 128>}, {transform_indices = @transform_6, window_bounds = array<i64: 1024, 128>}, {transform_indices = @transform_7, window_bounds = array<i64: 1024, 384>}]} {
    %get3A = arith.constant 0 : index
    %get3A_0 = arith.constant 0 : index
    %get3A_1 = vector.load %arg1[%get3A, %get3A_0] : memref<1024x128xf32, #tpu.memory_space<vmem>>, vector<1024x128xf32>
    %get3A_2 = arith.constant 0 : index
    %get3A_3 = arith.constant 0 : index
    %get3A_4 = vector.load %arg3[%get3A_2, %get3A_3] : memref<128x128xf32, #tpu.memory_space<vmem>>, vector<128x128xf32>
    %dot_general3A = arith.constant dense<0.000000e+00> : vector<1024x128xf32>
    %dot_general3A_5 = tpu.matmul %get3A_1, %get3A_4, %dot_general3A {dimension_numbers = #tpu.dot_dimension_numbers<[1], [0], [0], [1], [0, 0, 1, 1], [], []>, transpose_lhs_hint = false} : vector<1024x128xf32>, vector<128x128xf32>, vector<1024x128xf32> -> vector<1024x128xf32>
    %swap3A = arith.constant 0 : index
    %swap3A_6 = arith.constant 0 : index
    %swap3A_7 = vector.load %arg7[%swap3A, %swap3A_6] : memref<1024x128xf32, #tpu.memory_space<vmem>>, vector<1024x128xf32>
    tpu.vector_store %arg7[%swap3A, %swap3A_6], %dot_general3A_5 {strides = array<i32>} : memref<1024x128xf32, #tpu.memory_space<vmem>>, vector<1024x128xf32>,
    %get3A_8 = arith.constant 0 : index
    %get3A_9 = arith.constant 0 : index
    %get3A_10 = vector.load %arg4[%get3A_8, %get3A_9] : memref<128x128xf32, #tpu.memory_space<vmem>>, vector<128x128xf32>
    %dot_general3A_11 = arith.constant dense<0.000000e+00> : vector<1024x128xf32>
    %dot_general3A_12 = tpu.matmul %get3A_1, %get3A_10, %dot_general3A_11 {dimension_numbers = #tpu.dot_dimension_numbers<[1], [0], [0], [1], [0, 0, 1, 1], [], []>, transpose_lhs_hint = false} : vector<1024x128xf32>, vector<128x128xf32>, vector<1024x128xf32> -> vector<1024x128xf32>
    %get3A_13 = arith.constant 0 : index
    %get3A_14 = arith.constant 0 : index
    %get3A_15 = vector.load %arg5[%get3A_13, %get3A_14] : memref<128x128xf32, #tpu.memory_space<vmem>>, vector<128x128xf32>
    %dot_general3A_16 = arith.constant dense<0.000000e+00> : vector<1024x128xf32>
    %dot_general3A_17 = tpu.matmul %get3A_1, %get3A_15, %dot_general3A_16 {dimension_numbers = #tpu.dot_dimension_numbers<[1], [0], [0], [1], [0, 0, 1, 1], [], []>, transpose_lhs_hint = false} : vector<1024x128xf32>, vector<128x128xf32>, vector<1024x128xf32> -> vector<1024x128xf32>
    %get3A_18 = arith.constant 0 : index
    %get3A_19 = arith.constant 0 : index
    %get3A_20 = vector.load %arg2[%get3A_18, %get3A_19] : memref<1024x8xf32, #tpu.memory_space<vmem>>, vector<1024x8xf32>
    %get3A_21 = arith.constant 0 : index
    %get3A_22 = arith.constant 0 : index
    %get3A_23 = vector.load %arg6[%get3A_21, %get3A_22] : memref<8x128xf32, #tpu.memory_space<vmem>>, vector<8x128xf32>
    %dot_general3A_24 = arith.constant dense<0.000000e+00> : vector<1024x128xf32>
    %dot_general3A_25 = tpu.matmul %get3A_20, %get3A_23, %dot_general3A_24 {dimension_numbers = #tpu.dot_dimension_numbers<[1], [0], [0], [1], [0, 0, 1, 1], [], []>, transpose_lhs_hint = false} : vector<1024x8xf32>, vector<8x128xf32>, vector<1024x128xf32> -> vector<1024x128xf32>
    %concatenate3A = tpu.concatenate %dot_general3A_12, %dot_general3A_17, %dot_general3A_25 in 1 : vector<1024x128xf32>, vector<1024x128xf32>, vector<1024x128xf32> -> vector<1024x384xf32>
    %swap3A_26 = arith.constant 0 : index
    %swap3A_27 = arith.constant 0 : index
    %swap3A_28 = vector.load %arg8[%swap3A_26, %swap3A_27] : memref<1024x384xf32, #tpu.memory_space<vmem>>, vector<1024x384xf32>
    tpu.vector_store %arg8[%swap3A_26, %swap3A_27], %concatenate3A {strides = array<i32>} : memref<1024x384xf32, #tpu.memory_space<vmem>>, vector<1024x384xf32>,
    return
  }
  func.func @transform_0(%arg0: i32) -> (i32, i32) {
    %c0_i32 = arith.constant 0 : i32
    %c0_i32_0 = arith.constant 0 : i32
    return %arg0, %c0_i32 : i32, i32
  }
  func.func @transform_1(%arg0: i32) -> (i32, i32) {
    %c0_i32 = arith.constant 0 : i32
    %c0_i32_0 = arith.constant 0 : i32
    return %arg0, %c0_i32 : i32, i32
  }
  func.func @transform_2(%arg0: i32) -> (i32, i32) {
    %c0_i32 = arith.constant 0 : i32
    %c0_i32_0 = arith.constant 0 : i32
    %c0_i32_1 = arith.constant 0 : i32
    return %c0_i32, %c0_i32_0 : i32, i32
  }
  func.func @transform_3(%arg0: i32) -> (i32, i32) {
    %c0_i32 = arith.constant 0 : i32
    %c0_i32_0 = arith.constant 0 : i32
    %c0_i32_1 = arith.constant 0 : i32
    return %c0_i32, %c0_i32_0 : i32, i32
  }
  func.func @transform_4(%arg0: i32) -> (i32, i32) {
    %c0_i32 = arith.constant 0 : i32
    %c0_i32_0 = arith.constant 0 : i32
    %c0_i32_1 = arith.constant 0 : i32
    return %c0_i32, %c0_i32_0 : i32, i32
  }
  func.func @transform_5(%arg0: i32) -> (i32, i32) {
    %c0_i32 = arith.constant 0 : i32
    %c0_i32_0 = arith.constant 0 : i32
    %c0_i32_1 = arith.constant 0 : i32
    return %c0_i32, %c0_i32_0 : i32, i32
  }
  func.func @transform_6(%arg0: i32) -> (i32, i32) {
    %c0_i32 = arith.constant 0 : i32
    %c0_i32_0 = arith.constant 0 : i32
    return %arg0, %c0_i32 : i32, i32
  }
  func.func @transform_7(%arg0: i32) -> (i32, i32) {
    %c0_i32 = arith.constant 0 : i32
    %c0_i32_0 = arith.constant 0 : i32
    return %arg0, %c0_i32 : i32, i32
  }
}

module attributes {stable_mosaic.version = 14 : i64} {
  func.func @_attn_body(%arg0: i32, %arg1: memref<4096x384xf32, #tpu.memory_space<vmem>>, %arg2: memref<128x128xf32, #tpu.memory_space<vmem>>, %arg3: memref<128x384xf32, #tpu.memory_space<vmem>>, %arg4: memref<128x128xf32, #tpu.memory_space<vmem>>, %arg5: memref<1x128xf32, #tpu.memory_space<vmem>>, %arg6: memref<1x128xf32, #tpu.memory_space<vmem>>, %arg7: memref<128x128xf32, #tpu.memory_space<vmem>>, %arg8: memref<1x128xf32, #tpu.memory_space<vmem>>, %arg9: memref<128x128xf32, #tpu.memory_space<vmem>>) attributes {dimension_semantics = [#tpu.dimension_semantics<parallel>], iteration_bounds = array<i64: 128>, scalar_prefetch = 0 : i64, scratch_operands = 0 : i64, tpu.core_type = #tpu.core_type<tc>, window_params = [{transform_indices = @transform_0, window_bounds = array<i64: 4096, 384>}, {transform_indices = @transform_1, window_bounds = array<i64: 128, 128>}, {transform_indices = @transform_2, window_bounds = array<i64: 128, 384>}, {pipeline_mode = #tpu.pipeline_mode<synchronous>, transform_indices = @transform_3, window_bounds = array<i64: 128, 128>}, {pipeline_mode = #tpu.pipeline_mode<synchronous>, transform_indices = @transform_4, window_bounds = array<i64: 1, 128>}, {pipeline_mode = #tpu.pipeline_mode<synchronous>, transform_indices = @transform_5, window_bounds = array<i64: 1, 128>}, {pipeline_mode = #tpu.pipeline_mode<synchronous>, transform_indices = @transform_6, window_bounds = array<i64: 128, 128>}, {pipeline_mode = #tpu.pipeline_mode<synchronous>, transform_indices = @transform_7, window_bounds = array<i64: 1, 128>}, {transform_indices = @transform_8, window_bounds = array<i64: 128, 128>}]} {
    %get3A = arith.constant 0 : index
    %get3A_0 = arith.constant 0 : index
    %get3A_1 = vector.load %arg1[%get3A, %get3A_0] : memref<4096x384xf32, #tpu.memory_space<vmem>>, vector<4096x384xf32>
    %slice3A = vector.extract_strided_slice %get3A_1 {offsets = [0, 0], sizes = [4096, 128], strides = [1, 1]} : vector<4096x384xf32> to vector<4096x128xf32>
    %slice3A_2 = vector.extract_strided_slice %get3A_1 {offsets = [0, 128], sizes = [4096, 128], strides = [1, 1]} : vector<4096x384xf32> to vector<4096x128xf32>
    %slice3A_3 = vector.extract_strided_slice %get3A_1 {offsets = [0, 256], sizes = [4096, 128], strides = [1, 1]} : vector<4096x384xf32> to vector<4096x128xf32>
    %reshape3A = vector.shape_cast %slice3A_3 : vector<4096x128xf32> to vector<128x32x128xf32>
    %get3A_4 = arith.constant 0 : index
    %get3A_5 = arith.constant 256 : index
    %get3A_6 = vector.load %arg3[%get3A_4, %get3A_5] : memref<128x384xf32, #tpu.memory_space<vmem>>, vector<128x128xf32>
    %broadcast_in_dim3A = vector.shape_cast %get3A_6 : vector<128x128xf32> to vector<128x1x128xf32>
    %sub3A = vector.broadcast %broadcast_in_dim3A : vector<128x1x128xf32> to vector<128x32x128xf32>
    %sub3A_7 = arith.subf %reshape3A, %sub3A : vector<128x32x128xf32>
    %get3A_8 = arith.constant 0 : index
    %get3A_9 = arith.constant 0 : index
    %get3A_10 = vector.load %arg6[%get3A_8, %get3A_9] : memref<1x128xf32, #tpu.memory_space<vmem>>, vector<1x128xf32>
    %broadcast_in_dim3A_11 = vector.shape_cast %get3A_10 : vector<1x128xf32> to vector<1x1x128xf32>
    %add3A = vector.broadcast %broadcast_in_dim3A_11 : vector<1x1x128xf32> to vector<128x32x128xf32>
    %add3A_12 = arith.addf %sub3A_7, %add3A : vector<128x32x128xf32>
    %max3A = arith.constant 0.000000e+00 : f32
    %max3A_13 = vector.broadcast %max3A : f32 to vector<128x32x128xf32>
    %max3A_14 = arith.maximumf %add3A_12, %max3A_13 : vector<128x32x128xf32>
    %reshape3A_15 = vector.shape_cast %max3A_14 : vector<128x32x128xf32> to vector<4096x128xf32>
    %get3A_16 = arith.constant 0 : index
    %get3A_17 = arith.constant 0 : index
    %get3A_18 = vector.load %arg4[%get3A_16, %get3A_17] : memref<128x128xf32, #tpu.memory_space<vmem>>, vector<128x128xf32>
    %dot_general3A = arith.constant dense<0.000000e+00> : vector<4096x128xf32>
    %dot_general3A_19 = tpu.matmul %reshape3A_15, %get3A_18, %dot_general3A {dimension_numbers = #tpu.dot_dimension_numbers<[1], [0], [0], [1], [0, 0, 1, 1], [], []>, transpose_lhs_hint = false} : vector<4096x128xf32>, vector<128x128xf32>, vector<4096x128xf32> -> vector<4096x128xf32>
    %get3A_20 = arith.constant 0 : index
    %get3A_21 = arith.constant 0 : index
    %get3A_22 = vector.load %arg5[%get3A_20, %get3A_21] : memref<1x128xf32, #tpu.memory_space<vmem>>, vector<1x128xf32>
    %add3A_23 = vector.broadcast %get3A_22 : vector<1x128xf32> to vector<4096x128xf32>
    %add3A_24 = arith.addf %dot_general3A_19, %add3A_23 : vector<4096x128xf32>
    %get3A_25 = arith.constant 0 : index
    %get3A_26 = arith.constant 0 : index
    %get3A_27 = vector.load %arg2[%get3A_25, %get3A_26] : memref<128x128xf32, #tpu.memory_space<vmem>>, vector<128x128xf32>
    %add3A_28 = arith.addf %slice3A, %add3A_24 : vector<4096x128xf32>
    %reshape3A_29 = vector.shape_cast %add3A_28 : vector<4096x128xf32> to vector<128x32x128xf32>
    %broadcast_in_dim3A_30 = vector.shape_cast %get3A_27 : vector<128x128xf32> to vector<128x1x128xf32>
    %mul3A = vector.broadcast %broadcast_in_dim3A_30 : vector<128x1x128xf32> to vector<128x32x128xf32>
    %mul3A_31 = arith.mulf %reshape3A_29, %mul3A : vector<128x32x128xf32>
    %iota3A = tpu.iota {dimensions = array<i32: 0>} : vector<128x8xi32>
    %iota3A_32 = tpu.iota {dimensions = array<i32: 1>} : vector<128x8xi32>
    %jit3A = arith.constant 16 : i32
    %div3A = vector.broadcast %jit3A : i32 to vector<128x8xi32>
    %div3A_33 = arith.divsi %iota3A, %div3A : vector<128x8xi32>
    %sign3A = arith.constant 0 : i32
    %sign3A_34 = vector.broadcast %sign3A : i32 to vector<128x8xi32>
    %sign3A_35 = arith.cmpi sgt, %iota3A, %sign3A_34 : vector<128x8xi32>
    %sign3A_36 = arith.extui %sign3A_35 : vector<128x8xi1> to vector<128x8xi32>
    %sign3A_37 = arith.constant 0 : i32
    %sign3A_38 = vector.broadcast %sign3A_37 : i32 to vector<128x8xi32>
    %sign3A_39 = arith.cmpi slt, %iota3A, %sign3A_38 : vector<128x8xi32>
    %sign3A_40 = arith.extui %sign3A_39 : vector<128x8xi1> to vector<128x8xi32>
    %sign3A_41 = arith.subi %sign3A_36, %sign3A_40 : vector<128x8xi32>
    %sign3A_42 = arith.constant 0 : i32
    %sign3A_43 = arith.cmpi sgt, %jit3A, %sign3A_42 : i32
    %sign3A_44 = arith.extui %sign3A_43 : i1 to i32
    %sign3A_45 = arith.constant 0 : i32
    %sign3A_46 = arith.cmpi slt, %jit3A, %sign3A_45 : i32
    %sign3A_47 = arith.extui %sign3A_46 : i1 to i32
    %sign3A_48 = arith.subi %sign3A_44, %sign3A_47 : i32
    %ne3A = vector.broadcast %sign3A_48 : i32 to vector<128x8xi32>
    %ne3A_49 = arith.cmpi ne, %sign3A_41, %ne3A : vector<128x8xi32>
    %rem3A = vector.broadcast %jit3A : i32 to vector<128x8xi32>
    %rem3A_50 = arith.remsi %iota3A, %rem3A : vector<128x8xi32>
    %ne3A_51 = arith.constant 0 : i32
    %ne3A_52 = vector.broadcast %ne3A_51 : i32 to vector<128x8xi32>
    %ne3A_53 = arith.cmpi ne, %rem3A_50, %ne3A_52 : vector<128x8xi32>
    %and3A = arith.andi %ne3A_49, %ne3A_53 : vector<128x8xi1>
    %sub3A_54 = arith.constant 1 : i32
    %sub3A_55 = vector.broadcast %sub3A_54 : i32 to vector<128x8xi32>
    %sub3A_56 = arith.subi %div3A_33, %sub3A_55 : vector<128x8xi32>
    %select_n3A = arith.select %and3A, %sub3A_56, %div3A_33 : vector<128x8xi1>, vector<128x8xi32>
    %eq3A = arith.cmpi eq, %select_n3A, %iota3A_32 : vector<128x8xi32>
    %jit3A_57 = arith.constant 1.000000e+00 : f32
    %jit3A_58 = arith.constant 0.000000e+00 : f32
    %broadcast_in_dim3A_59 = vector.broadcast %jit3A_57 : f32 to vector<128x8xf32>
    %broadcast_in_dim3A_60 = vector.broadcast %jit3A_58 : f32 to vector<128x8xf32>
    %select_n3A_61 = arith.select %eq3A, %broadcast_in_dim3A_59, %broadcast_in_dim3A_60 : vector<128x8xi1>, vector<128x8xf32>
    %reshape3A_62 = vector.shape_cast %mul3A_31 : vector<128x32x128xf32> to vector<4096x128xf32>
    %dot_general3A_63 = arith.constant dense<0.000000e+00> : vector<4096x8xf32>
    %dot_general3A_64 = tpu.matmul %reshape3A_62, %select_n3A_61, %dot_general3A_63 {dimension_numbers = #tpu.dot_dimension_numbers<[1], [0], [0], [1], [0, 0, 1, 1], [], []>, transpose_lhs_hint = false} : vector<4096x128xf32>, vector<128x8xf32>, vector<4096x8xf32> -> vector<4096x8xf32>
    %reshape3A_65 = vector.shape_cast %dot_general3A_64 : vector<4096x8xf32> to vector<128x32x8xf32>
    %mul3A_66 = arith.constant 2.500000e-01 : f32
    %mul3A_67 = vector.broadcast %mul3A_66 : f32 to vector<128x32x8xf32>
    %mul3A_68 = arith.mulf %reshape3A_65, %mul3A_67 : vector<128x32x8xf32>
    %reduce_max3A = arith.constant dense<0xFF800000> : vector<128x8xf32>
    %reduce_max3A_69 = vector.multi_reduction <maximumf>, %mul3A_68, %reduce_max3A [1] : vector<128x32x8xf32> to vector<128x8xf32>
    %broadcast_in_dim3A_70 = vector.shape_cast %reduce_max3A_69 : vector<128x8xf32> to vector<128x1x8xf32>
    %sub3A_71 = vector.broadcast %broadcast_in_dim3A_70 : vector<128x1x8xf32> to vector<128x32x8xf32>
    %sub3A_72 = arith.subf %mul3A_68, %sub3A_71 : vector<128x32x8xf32>
    %exp3A = math.exp %sub3A_72 : vector<128x32x8xf32>
    %reduce_sum3A = arith.constant dense<0.000000e+00> : vector<128x8xf32>
    %reduce_sum3A_73 = vector.multi_reduction <add>, %exp3A, %reduce_sum3A [1] : vector<128x32x8xf32> to vector<128x8xf32>
    %broadcast_in_dim3A_74 = vector.shape_cast %reduce_sum3A_73 : vector<128x8xf32> to vector<128x1x8xf32>
    %div3A_75 = vector.broadcast %broadcast_in_dim3A_74 : vector<128x1x8xf32> to vector<128x32x8xf32>
    %div3A_76 = arith.divf %exp3A, %div3A_75 : vector<128x32x8xf32>
    %iota3A_77 = tpu.iota {dimensions = array<i32: 0>} : vector<8x128xi32>
    %iota3A_78 = tpu.iota {dimensions = array<i32: 1>} : vector<8x128xi32>
    %jit3A_79 = arith.constant 16 : i32
    %div3A_80 = vector.broadcast %jit3A_79 : i32 to vector<8x128xi32>
    %div3A_81 = arith.divsi %iota3A_78, %div3A_80 : vector<8x128xi32>
    %sign3A_82 = arith.constant 0 : i32
    %sign3A_83 = vector.broadcast %sign3A_82 : i32 to vector<8x128xi32>
    %sign3A_84 = arith.cmpi sgt, %iota3A_78, %sign3A_83 : vector<8x128xi32>
    %sign3A_85 = arith.extui %sign3A_84 : vector<8x128xi1> to vector<8x128xi32>
    %sign3A_86 = arith.constant 0 : i32
    %sign3A_87 = vector.broadcast %sign3A_86 : i32 to vector<8x128xi32>
    %sign3A_88 = arith.cmpi slt, %iota3A_78, %sign3A_87 : vector<8x128xi32>
    %sign3A_89 = arith.extui %sign3A_88 : vector<8x128xi1> to vector<8x128xi32>
    %sign3A_90 = arith.subi %sign3A_85, %sign3A_89 : vector<8x128xi32>
    %sign3A_91 = arith.constant 0 : i32
    %sign3A_92 = arith.cmpi sgt, %jit3A_79, %sign3A_91 : i32
    %sign3A_93 = arith.extui %sign3A_92 : i1 to i32
    %sign3A_94 = arith.constant 0 : i32
    %sign3A_95 = arith.cmpi slt, %jit3A_79, %sign3A_94 : i32
    %sign3A_96 = arith.extui %sign3A_95 : i1 to i32
    %sign3A_97 = arith.subi %sign3A_93, %sign3A_96 : i32
    %ne3A_98 = vector.broadcast %sign3A_97 : i32 to vector<8x128xi32>
    %ne3A_99 = arith.cmpi ne, %sign3A_90, %ne3A_98 : vector<8x128xi32>
    %rem3A_100 = vector.broadcast %jit3A_79 : i32 to vector<8x128xi32>
    %rem3A_101 = arith.remsi %iota3A_78, %rem3A_100 : vector<8x128xi32>
    %ne3A_102 = arith.constant 0 : i32
    %ne3A_103 = vector.broadcast %ne3A_102 : i32 to vector<8x128xi32>
    %ne3A_104 = arith.cmpi ne, %rem3A_101, %ne3A_103 : vector<8x128xi32>
    %and3A_105 = arith.andi %ne3A_99, %ne3A_104 : vector<8x128xi1>
    %sub3A_106 = arith.constant 1 : i32
    %sub3A_107 = vector.broadcast %sub3A_106 : i32 to vector<8x128xi32>
    %sub3A_108 = arith.subi %div3A_81, %sub3A_107 : vector<8x128xi32>
    %select_n3A_109 = arith.select %and3A_105, %sub3A_108, %div3A_81 : vector<8x128xi1>, vector<8x128xi32>
    %eq3A_110 = arith.cmpi eq, %select_n3A_109, %iota3A_77 : vector<8x128xi32>
    %jit3A_111 = arith.constant 1.000000e+00 : f32
    %jit3A_112 = arith.constant 0.000000e+00 : f32
    %broadcast_in_dim3A_113 = vector.broadcast %jit3A_111 : f32 to vector<8x128xf32>
    %broadcast_in_dim3A_114 = vector.broadcast %jit3A_112 : f32 to vector<8x128xf32>
    %select_n3A_115 = arith.select %eq3A_110, %broadcast_in_dim3A_113, %broadcast_in_dim3A_114 : vector<8x128xi1>, vector<8x128xf32>
    %reshape3A_116 = vector.shape_cast %div3A_76 : vector<128x32x8xf32> to vector<4096x8xf32>
    %dot_general3A_117 = arith.constant dense<0.000000e+00> : vector<4096x128xf32>
    %dot_general3A_118 = tpu.matmul %reshape3A_116, %select_n3A_115, %dot_general3A_117 {dimension_numbers = #tpu.dot_dimension_numbers<[1], [0], [0], [1], [0, 0, 1, 1], [], []>, transpose_lhs_hint = false} : vector<4096x8xf32>, vector<8x128xf32>, vector<4096x128xf32> -> vector<4096x128xf32>
    %reshape3A_119 = vector.shape_cast %dot_general3A_118 : vector<4096x128xf32> to vector<128x32x128xf32>
    %add3A_120 = arith.addf %slice3A_2, %add3A_24 : vector<4096x128xf32>
    %reshape3A_121 = vector.shape_cast %add3A_120 : vector<4096x128xf32> to vector<128x32x128xf32>
    %mul3A_122 = arith.mulf %reshape3A_119, %reshape3A_121 : vector<128x32x128xf32>
    %reduce_sum3A_123 = arith.constant dense<0.000000e+00> : vector<128x128xf32>
    %reduce_sum3A_124 = vector.multi_reduction <add>, %mul3A_122, %reduce_sum3A_123 [1] : vector<128x32x128xf32> to vector<128x128xf32>
    %get3A_125 = arith.constant 0 : index
    %get3A_126 = arith.constant 0 : index
    %get3A_127 = vector.load %arg7[%get3A_125, %get3A_126] : memref<128x128xf32, #tpu.memory_space<vmem>>, vector<128x128xf32>
    %dot_general3A_128 = arith.constant dense<0.000000e+00> : vector<128x128xf32>
    %dot_general3A_129 = tpu.matmul %reduce_sum3A_124, %get3A_127, %dot_general3A_128 {dimension_numbers = #tpu.dot_dimension_numbers<[1], [0], [0], [1], [0, 0, 1, 1], [], []>, transpose_lhs_hint = false} : vector<128x128xf32>, vector<128x128xf32>, vector<128x128xf32> -> vector<128x128xf32>
    %get3A_130 = arith.constant 0 : index
    %get3A_131 = arith.constant 0 : index
    %get3A_132 = vector.load %arg8[%get3A_130, %get3A_131] : memref<1x128xf32, #tpu.memory_space<vmem>>, vector<1x128xf32>
    %add3A_133 = vector.broadcast %get3A_132 : vector<1x128xf32> to vector<128x128xf32>
    %add3A_134 = arith.addf %dot_general3A_129, %add3A_133 : vector<128x128xf32>
    %swap3A = arith.constant 0 : index
    %swap3A_135 = arith.constant 0 : index
    %swap3A_136 = vector.load %arg9[%swap3A, %swap3A_135] : memref<128x128xf32, #tpu.memory_space<vmem>>, vector<128x128xf32>
    tpu.vector_store %arg9[%swap3A, %swap3A_135], %add3A_134 {strides = array<i32>} : memref<128x128xf32, #tpu.memory_space<vmem>>, vector<128x128xf32>,
    return
  }
  func.func @transform_0(%arg0: i32) -> (i32, i32) {
    %c0_i32 = arith.constant 0 : i32
    %c0_i32_0 = arith.constant 0 : i32
    return %arg0, %c0_i32 : i32, i32
  }
  func.func @transform_1(%arg0: i32) -> (i32, i32) {
    %c0_i32 = arith.constant 0 : i32
    %c0_i32_0 = arith.constant 0 : i32
    return %arg0, %c0_i32 : i32, i32
  }
  func.func @transform_2(%arg0: i32) -> (i32, i32) {
    %c0_i32 = arith.constant 0 : i32
    %c0_i32_0 = arith.constant 0 : i32
    return %arg0, %c0_i32 : i32, i32
  }
  func.func @transform_3(%arg0: i32) -> (i32, i32) {
    %c0_i32 = arith.constant 0 : i32
    %c0_i32_0 = arith.constant 0 : i32
    %c0_i32_1 = arith.constant 0 : i32
    return %c0_i32, %c0_i32_0 : i32, i32
  }
  func.func @transform_4(%arg0: i32) -> (i32, i32) {
    %c0_i32 = arith.constant 0 : i32
    %c0_i32_0 = arith.constant 0 : i32
    %c0_i32_1 = arith.constant 0 : i32
    return %c0_i32, %c0_i32_0 : i32, i32
  }
  func.func @transform_5(%arg0: i32) -> (i32, i32) {
    %c0_i32 = arith.constant 0 : i32
    %c0_i32_0 = arith.constant 0 : i32
    %c0_i32_1 = arith.constant 0 : i32
    return %c0_i32, %c0_i32_0 : i32, i32
  }
  func.func @transform_6(%arg0: i32) -> (i32, i32) {
    %c0_i32 = arith.constant 0 : i32
    %c0_i32_0 = arith.constant 0 : i32
    %c0_i32_1 = arith.constant 0 : i32
    return %c0_i32, %c0_i32_0 : i32, i32
  }
  func.func @transform_7(%arg0: i32) -> (i32, i32) {
    %c0_i32 = arith.constant 0 : i32
    %c0_i32_0 = arith.constant 0 : i32
    %c0_i32_1 = arith.constant 0 : i32
    return %c0_i32, %c0_i32_0 : i32, i32
  }
  func.func @transform_8(%arg0: i32) -> (i32, i32) {
    %c0_i32 = arith.constant 0 : i32
    %c0_i32_0 = arith.constant 0 : i32
    return %arg0, %c0_i32 : i32, i32
  }
}

</mosaic_0001>

<sc_bundles>
// kernel: sc_gather_524288_384.3.cloned.1.call-start
scs
__scs_entry_jumppad:
0x0: {  	(pc) =	sbr.rel $0x88, $3  }
0x1: {  	(tag) =	ssettag $0x0;
	lr =	simm.s32 $0x1  }
0x2: {  	[smem:$0x3F96] =	sst lr;
	_ =	strace $0xD0000000  }
0x3: {  	_ = 	snop  }
0x4: {  	_ = 	snop  }
0x5: {  	_ = 	snop  }
0x6: {  	_ = 	snop  }
0x7: {  	_ = 	snop  }
__scs_overlays_trampoline_lowered:
0x8: {  	[smem:$0x3FA5] =	sst s0  }
0x9: {  	[smem:$0x3FA6] =	sst s1  }
0xa: {  	[smem:$0x3FA7] =	sst s2  }
0xb: {  	[smem:$0x3FA8] =	sst s3  }
0xc: {  	[smem:$0x3FA9] =	sst s4  }
0xd: {  	[smem:$0x3FAA] =	sst s5  }
0xe: {  	[smem:$0x3FAB] =	sst s6  }
0xf: {  	[smem:$0x3FAC] =	sst s7  }
0x10: {  	[smem:$0x3FAD] =	sst s8  }
0x11: {  	[smem:$0x3FAE] =	sst s9;
	s0 =	simm.s32 @!p0 $0x0  }
0x12: {  	s1 =	sld [smem:$0x3F94];
	s0 =	simm.s32 @p0 $0x1  }
0x13: {  	[smem:$0x3FAF] =	sst s0;
	s0 =	simm.s32 @!p1 $0x0  }
0x14: {  	s2 =	sld [smem:$0x3F93];
	s0 =	simm.s32 @p1 $0x1  }
0x15: {  	[smem:$0x3FB0] =	sst s0;
	s0 =	simm.s32 @!p2 $0x0  }
0x16: {  	s3 =	sld [smem:$0x3FDB];
	s0 =	simm.s32 @p2 $0x1  }
0x17: {  	s4 =	simm.s32 $0x1BF5;
	[smem:$0x3FB2] =	sst s0  }
0x18: {  	s0 =	sld [smem:$0x3F95];
	_ =	swait.ge [sflag:s4], $0x0  }
0x19: {  	s7 =	sld [smem:$0x3F96]  }
0x1a: {  	s8 =	sadd.s32 $0xFFFFE003, lr  }
0x1b: {  	s9 =	sadd.s32 $0xFFFFFEF7, lr;
	s5 =	simm.s32 $0xFFFFFFFF;
	p2 =	slt.u32 s8, $0xFFFFF086  }
0x1c: {  	p1 =	slt.u32 s9, $0xF7A;
	s5 =	simm.s32 @!p2 $0x0  }
0x1d: {  	s5 =	simm.s32 @p1 $0x1;
	p0 =	seq.s32 s7, s2  }
0x1e: {  	s7 =	smul.u32 @!p0 $0xF7A, s2;
	p2 =	seq.s32 @!p0 s5, $0x0  }
0x1f: {  	s9 =	smul.u32 $0xF7A, s1;
	s8 =	simm.s32 @!p0 $0x1BF5;
	p2 =	por !p2, p0  }
0x20: {  	[sflag:s8] =	ssyncset.s32 @!p0 $0xFFFFF086;
	s6 =	sadd.s32 @!p0 s3, s7;
	s7 =	simm.s32 @!p0 $0x108  }
0x21: {  	s3 =	sadd.s32 s3, s9;
	s6 =	sadd.s32 @!p0 $0x88, s6;
	s7 =	simm.s32 @p2 $0x1082  }
0x22: {  	[simem:s7], [sflag:s8] =	dma.local @!p0 [hbm:s6], $0xF7A  }
0x23: {  	s9 =	sor.u32 $0xD0000000, s2;
	s6 =	simm.s32 $0x108;
	_ =	swait.ge @!p0 [sflag:s8], $0x0  }
0x24: {  	s3 =	sadd.s32 $0x88, s3;
	s6 =	simm.s32 @!p1 $0x1082;
	[sflag:s4] =	ssyncset.s32 $0xFFFFF086  }
0x25: {  	[simem:s6], [sflag:s4] =	dma.local [hbm:s3], $0xF7A  }
0x26: {  	[smem:$0x3F96] =	sst s1;
	(tag) =	ssettag s2;
	_ =	strace s9  }
0x27: {  	s1 =	sld [smem:$0x3FA6]  }
0x28: {  	s2 =	sld [smem:$0x3FA7]  }
0x29: {  	s4 =	sld [smem:$0x3FA9]  }
0x2a: {  	p0 =	seq.s32 s5, $0x0;
	s5 =	sld [smem:$0x3FAA]  }
0x2b: {  	s6 =	sld [smem:$0x3FAB]  }
0x2c: {  	s7 =	sld [smem:$0x3FAC]  }
0x2d: {  	s3 =	simm.s32 $0x108;
	s8 =	sld [smem:$0x3FAD]  }
0x2e: {  	s3 =	simm.s32 @!p0 $0x1082;
	s9 =	sld [smem:$0x3FAE]  }
0x2f: {  	lr =	sadd.s32 s0, s3;
	s0 =	sld [smem:$0x3FA5]  }
0x30: {  	s3 =	sld [smem:$0x3FA8]  }
0x31: {  	[smem:$0x3FB1] =	sst s10  }
0x32: {  	s10 =	sld [smem:$0x3FAF];
	_ =	sdelay $0x3  }
0x33: {  	p0 =	seq.s32 s10, $0x1;
	s10 =	sld [smem:$0x3FB1];
	_ =	sdelay $0x3  }
0x34: {  	[smem:$0x3FB1] =	sst s10  }
0x35: {  	s10 =	sld [smem:$0x3FB0];
	_ =	sdelay $0x3  }
0x36: {  	p1 =	seq.s32 s10, $0x1;
	s10 =	sld [smem:$0x3FB1];
	_ =	sdelay $0x3  }
0x37: {  	[smem:$0x3FB1] =	sst s10  }
0x38: {  	s10 =	sld [smem:$0x3FB2]  }
0x39: {  	_ = 	snop;
	(pc) =	sbr.ind lr, $3  }
0x3a: {  	_ = 	snop  }
0x3b: {  	_ = 	snop  }
0x3c: {  	p2 =	seq.s32 s10, $0x1;
	s10 =	sld [smem:$0x3FB1]  }
0x3d: {  	_ =	shalt  }
0x3e: {  	_ =	shalt  }
0x3f: {  	_ =	shalt  }
0x40: {  	_ =	shalt  }
0x41: {  	_ =	shalt  }
0x42: {  	_ =	shalt  }
0x43: {  	_ =	shalt  }
0x44: {  	_ =	shalt  }
0x45: {  	_ =	shalt  }
0x46: {  	_ =	shalt  }
0x47: {  	_ =	shalt  }
0x48: {  	_ =	shalt  }
0x49: {  	_ =	shalt  }
0x4a: {  	_ =	shalt  }
0x4b: {  	_ =	shalt  }
0x4c: {  	_ =	shalt  }
0x4d: {  	_ =	shalt  }
0x4e: {  	_ =	shalt  }
0x4f: {  	_ =	shalt  }
0x50: {  	_ =	shalt  }
0x51: {  	_ =	shalt  }
0x52: {  	_ =	shalt  }
0x53: {  	_ =	shalt  }
0x54: {  	_ =	shalt  }
0x55: {  	_ =	shalt  }
0x56: {  	_ =	shalt  }
0x57: {  	_ =	shalt  }
0x58: {  	_ =	shalt  }
0x59: {  	_ =	shalt  }
0x5a: {  	_ =	shalt  }
0x5b: {  	_ =	shalt  }
0x5c: {  	_ =	shalt  }
0x5d: {  	_ =	shalt  }
0x5e: {  	_ =	shalt  }
0x5f: {  	_ =	shalt  }
0x60: {  	_ =	shalt  }
0x61: {  	_ =	shalt  }
0x62: {  	_ =	shalt  }
0x63: {  	_ =	shalt  }
0x64: {  	_ =	shalt  }
0x65: {  	_ =	shalt  }
0x66: {  	_ =	shalt  }
0x67: {  	_ =	shalt  }
0x68: {  	_ =	shalt  }
0x69: {  	_ =	shalt  }
0x6a: {  	_ =	shalt  }
0x6b: {  	_ =	shalt  }
0x6c: {  	_ =	shalt  }
0x6d: {  	_ =	shalt  }
0x6e: {  	_ =	shalt  }
0x6f: {  	_ =	shalt  }
0x70: {  	_ =	shalt  }
0x71: {  	_ =	shalt  }
0x72: {  	_ =	shalt  }
0x73: {  	_ =	shalt  }
0x74: {  	_ =	shalt  }
0x75: {  	_ =	shalt  }
0x76: {  	_ =	shalt  }
0x77: {  	_ =	shalt  }
0x78: {  	_ =	shalt  }
0x79: {  	_ =	shalt  }
0x7a: {  	_ =	shalt  }
0x7b: {  	_ =	shalt  }
0x7c: {  	_ =	shalt  }
0x7d: {  	_ =	shalt  }
0x7e: {  	_ =	shalt  }
0x7f: {  	_ =	shalt  }
0x80: {  	_ =	shalt  }
0x81: {  	_ =	shalt  }
0x82: {  	_ =	shalt  }
0x83: {  	_ =	shalt  }
0x84: {  	_ =	shalt  }
0x85: {  	_ =	shalt  }
0x86: {  	_ =	shalt  }
0x87: {  	_ =	shalt  }
.Lfunc_end0:
.L_simem_size_0:
called_computation_lowered:
.L_overlay_start_0:
0x88: {  	s2 =	sld [smem:$0x3FD9]  }
0x89: {  	s3 =	sld [smem:$0x3FFE];
	_ =	sdelay $0x1  }
0x8a: {  	s1 =	srdreg.scid  }
0x8b: {  	s0 =	sand.u32 $0x1, s1  }
0x8c: {  	s16 =	sshll.u32 s0, $0xA;
	s2 =	sadd.s32 s3, s2  }
0x8d: {  	s2 =	sadd.s32 s2, s16  }
0x8e: {  	[smem:$0x3FBD] =	sst s2  }
0x8f: {  	_ = 	snop  }
0x90: {  	(tm) =	ssettm $0x1  }
0x91: {  	s17 =	sld [smem:$0x3FFB];
	_ =	sdelay $0x3  }
0x92: {  	_ =	strace s17  }
0x93: {  	s2 =	sld [smem:$0x3FFC];
	_ =	sdelay $0x3  }
0x94: {  	_ =	strace s2  }
0x95: {  	s2 =	sld [smem:$0x3FFD];
	_ =	sdelay $0x3  }
0x96: {  	_ =	strace s2  }
0x97: {  	_ =	strace $0x8FFFFFFF  }
0x98: {  	s18 =	sld [smem:$0x3FDB];
	_ =	sdelay $0x1  }
0x99: {  	s19 =	simm.s32 $_scs_section_size  }
0x9a: {  	s4 =	simm.s32 $_size__tile_overlayer_lowered;
	s5 =	simm.s32 $_tile_overlayer_lowered  }
0x9b: {  	s22 =	simm.s32 $0x1BFF;
	s21 =	sshll.u32 s5, $0x1;
	s2 =	sadd.s32 s19, s18  }
0x9c: {  	s6 =	simm.s32 $0x0;
	s20 =	sshll.u32 s4, $0x1;
	s4 =	sadd.s32 s21, s2  }
0x9d: {  	[timem:s6], [sflag:s22] =	dma.local [hbm:s4], s20  }
0x9e: {  	_ =	swait.ge [sflag:s22], s20  }
0x9f: {  	s3 =	ssub.s32 $0x0, s20;
	[sflag:s22] =	ssyncset.done $0x0  }
0xa0: {  	[sflag:s22] =	ssyncadd.s32 s3;
	_ =	sdelay $0x1  }
0xa1: {  	s23 =	simm.s32 $0x1B8B  }
0xa2: {  	_ =	swait.ge [sflag:s23], $0x1  }
0xa3: {  	[sflag:s23] =	ssyncset.done $0x0  }
0xa4: {  	s25 =	simm.s32 $0x1B8E;
	s24 =	sld [smem:$0x3FFE];
	[sflag:s23] =	ssyncadd.s32 $0xFFFFFFFF  }
0xa5: {  	s26 =	simm.s32 $execute0_lowered;
	[smem:$0x3FD2] =	sst s25  }
0xa6: {  	s4 =	sshll.u32 s26, $0x1;
	_ =	strace $0x80000046;
	[dreg:$0x1] =	wrdreg $0xFFFFFFFF  }
0xa7: {  	s28 =	simm.s32 $_size_execute0_lowered;
	s2 =	sadd.s32 s2, s4;
	[dreg:$0x0] =	wrdreg $0x0  }
0xa8: {  	s4 =	sshll.u32 s28, $0x1;
	[dreg:$0x2] =	wrdreg s2  }
0xa9: {  	[dreg:$0x3] =	wrdreg s4  }
0xaa: {  	[dreg:$0x4] =	wrdreg $0xC0  }
0xab: {  	_ =	task [dreg:s6], $0x5FFFF  }
0xac: {  	[dreg:$0x1] =	wrdreg $0xFFFFFFFF  }
0xad: {  	[dreg:$0x0] =	wrdreg $0x60  }
0xae: {  	[dreg:$0x2] =	wrdreg s24  }
0xaf: {  	[dreg:$0x3] =	wrdreg $0x9  }
0xb0: {  	_ =	task.clear_ibuf [dreg:s6], $0x4FFFF;
	_ =	strace $0x90000046  }
0xb1: {  	s29 =	simm.s32 $0x9;
	_ =	strace $0x80000048  }
0xb2: {  	_ =	swait.ge [sflag:s29], $0x1  }
0xb3: {  	[sflag:s29] =	ssyncadd.s32 $0xFFFFFFFF  }
0xb4: {  	_ =	strace $0x90000048  }
0xb5: {  	_ =	sfence  }
0xb6: {  	s30 =	sld [smem:$0x0];
	_ =	sdelay $0x2  }
0xb7: {  	s31 =	sshll.u32 s1, $0xD;
	s1 =	sshrl.u32 s1, $0x2  }
0xb8: {  	s3 =	sand.u32 $0x4000, s31;
	s1 =	sadd.s32 s1, s30  }
0xb9: {  	s0 =	sor.u32 s3, s0;
	s1 =	sshll.u32 s1, $0x11  }
0xba: {  	s0 =	sor.u32 s1, s0  }
0xbb: {  	s0 =	sadd.s32 $0x8F2B, s0  }
0xbc: {  	[sflag:s0] =	ssyncadd.remote.s32 $0x1  }
0xbd: {  	_ =	sfence.sel $0xFFFF  }
0xbe: {  	[dreg:$0x0] =	wrdreg $0xFFFFFFFF;
	(pc) =	sbr.abs _section_cstart, $3  }
0xbf: {  	[dreg:$0x1] =	wrdreg $0xFFFFFFFF  }
0xc0: {  	_ =	task.clear_ibuf [dreg:s6], $0x2FFFF;
	_ =	strace $0x9FFFFFFF  }
0xc1: {  	(tm) =	ssettm $0x7FFFFFFF  }
tec
execute0_lowered:
.L_overlay_start_1:
0x0: {  	(tag) =	ssettag $0x1  }
0x1: {  	s0 =	srdreg.scid  }
0x2: {  	s1 =	stileid.u32;
	s4 =	rddreg [dreg:$0x0]  }
0x3: {  	s10 =	simm.s32 $0x100;
	s16 =	simm.s32 $0xC100;
	s31 =	simm.s32 $0x11500  }
0x4: {  	s9 =	simm.s32 $0x14100;
	s11 =	simm.s32 $0x14500;
	s12 =	simm.s32 $0x14D00  }
0x5: {  	s13 =	simm.s32 $0x15100;
	s14 =	simm.s32 $0x15900;
	s15 =	simm.s32 $0x15D00  }
0x6: {  	s17 =	simm.s32 $0x16500;
	s18 =	simm.s32 $0x16900;
	s19 =	simm.s32 $0x17100  }
0x7: {  	s20 =	simm.s32 $0x17500;
	s21 =	simm.s32 $0x17D00;
	s22 =	simm.s32 $0x1  }
0x8: {  	s23 =	simm.s32 $0x2;
	s24 =	simm.s32 $0x4;
	s26 =	simm.s32 $0x0  }
0x9: {  	s0 =	sand.u32 $0x1, s0;
	s1 =	sshll.u32 s1, $0xF;
	s3 =	sadd.s32 $0x12600, s4  }
0xa: {  	s7 =	sadd.s32 $0x2600, s4;
	s2 =	sshll.u32 s0, $0xE;
	s0 =	ssub.s32 $0x2, s0  }
0xb: {  	s1 =	sor.u32 s2, s1;
	s2 =	simm.s32 $0x0;
	s8 =	sshrl.u32 s0, $0x1  }
0xc: {  	s5 =	sshrl.u32 s1, $0x3;
	[smem:$0x7FF] =	sst s2;
	s0 =	ssub.s32 s0, s8  }
0xd: {  	s1 =	sor.u32 $0x80, s1;
	s8 =	simm.s32 $0x13900;
	s6 =	smul.u32 $0x180, s5  }
0xe: {  	_ =	strace $0x80000047;
	s5 =	sadd.s32 s7, s5;
	s0 =	smax.u32 s0, $0x1  }
.Ltmp0:
0xf: {  	s29 =	sshrl.u32 s1, $0x3;
	[dreg:$0x2] =	wrdreg s5;
	(pc) =	sbr.rel .LBB2_1-.Ltmp0, $4  }
0x10: {  	s1 =	simm.s32 $0x11D00;
	s5 =	sadd.s32 $0x12700, s4;
	[dreg:$0x3] =	wrdreg s0  }
0x11: {  	v2 =	vlaneseq.u32;
	s0 =	sadd.s32 s29, s7;
	s7 =	simm.s32 $0x13500;
	s6 =	sadd.s32 s6, s4  }
0x12: {  	vm0 =	vmmov $0xffff;
	vm1 =	vmmov $0xff;
	v1 =	vshrl.u32 v2, $0x3;
	[dreg:$0x5] =	wrdreg s0;
	s0 =	simm.s32 $0x12100;
	s30 =	sadd.s32 $0xD2600, s6  }
0x13: {  	v0 =	vand.u32 $0x7, v2;
	v2 =	vor.u32 $0x8, v2;
	v1 =	vmul.u32 $0x8, v1;
	s4 =	simm.s32 $0x12900;
	s6 =	simm.s32 $0x12D00;
	[dreg:$0x4] =	wrdreg s30  }
.LBB2_8:
0x14: {  	s26 =	rddreg [dreg:$0x6]  }
0x15: {  	s25 =	rddreg [dreg:$0x3];
	s26 =	sadd.s32 $0x1, s26  }
0x16: {  	p0 =	sne.s32 s26, s25  }
.Ltmp1:
0x17: {  	_ = 	snop;
	(pc) =	sbr.rel @!p0 .LBB2_9-.Ltmp1, $1  }
0x18: {  	_ =	sdelay $0x3  }
.LBB2_1:
0x19: {  	[dreg:$0x6] =	wrdreg s26  }
0x1a: {  	s25 =	rddreg [dreg:$0x2];
	s29 =	simm.s32 $0x3  }
0x1b: {  	[tilespmem:s2], [sflag:$0x3] =	stream.linear.gather [hbm4b:s25+s2], $0x80, $0x38;
	[tilespmem:$0x18100] =	vst v63  }
0x1c: {  	_ =	swait.ge [sflag:s29], $0x80  }
0x1d: {  	[sflag:s29] =	ssyncset.done $0x0  }
0x1e: {  	[sflag:s29] =	ssyncadd.s32 $0xFFFFFF80  }
0x1f: {  	v3 =	vld [tilespmem:$0x0];
	_ =	sdelay $0x4  }
0x20: {  	v4 =	vshrl.u32 v3, $0x3  }
0x21: {  	v4 =	vmul.u32 $0x18, v4  }
0x22: {  	v3 =	vand.u32 $0x7, v3  }
0x23: {  	v3 =	vor.u32 v3, v4  }
0x24: {  	v4 =	vperm.xlane v3, v0;
	_ =	sdelay $0x1  }
0x25: {  	v4 =	vadd.s32 v1, v4;
	_ =	sdelay $0x1  }
0x26: {  	v3 =	vperm.xlane v3, v2;
	_ =	sdelay $0x1  }
0x27: {  	v3 =	vadd.s32 v1, v3  }
0x28: {  	[tilespmem:s10], [sflag:$0x1] =	stream.indirect_vreg.gather [hbm4b:s3+s2], $0x80, v4, vm0, $0xb8;
	[tilespmem:$0x18100] =	vst v63  }
0x29: {  	s30 =	simm.s32 $0x900  }
0x2a: {  	[tilespmem:s30], [sflag:$0x1] =	stream.indirect_vreg.gather [hbm4b:s5+s2], $0x80, v4, vm1, $0xb8;
	[tilespmem:$0x18100] =	vst v63  }
0x2b: {  	s26 =	simm.s32 $0xD00  }
0x2c: {  	[tilespmem:s26], [sflag:$0x1] =	stream.indirect_vreg.gather [hbm4b:s3+s2], $0x80, v3, vm0, $0xb8;
	[tilespmem:$0x18100] =	vst v63  }
0x2d: {  	s29 =	simm.s32 $0x1500  }
0x2e: {  	[tilespmem:s29], [sflag:$0x1] =	stream.indirect_vreg.gather [hbm4b:s5+s2], $0x80, v3, vm1, $0xb8;
	[tilespmem:$0x18100] =	vst v63  }
0x2f: {  	v3 =	vld [tilespmem:$0x10];
	_ =	sdelay $0x4  }
0x30: {  	v57 =	vshrl.u32 v3, $0x3  }
0x31: {  	v4 =	vmul.u32 $0x18, v57  }
0x32: {  	v3 =	vand.u32 $0x7, v3  }
0x33: {  	v3 =	vor.u32 v3, v4  }
0x34: {  	v4 =	vperm.xlane v3, v0;
	_ =	sdelay $0x1  }
0x35: {  	v4 =	vadd.s32 v1, v4;
	_ =	sdelay $0x1  }
0x36: {  	v3 =	vperm.xlane v3, v2;
	_ =	sdelay $0x1  }
0x37: {  	s30 =	simm.s32 $0x1900;
	v3 =	vadd.s32 v1, v3  }
0x38: {  	[tilespmem:s30], [sflag:$0x1] =	stream.indirect_vreg.gather [hbm4b:s3+s2], $0x80, v4, vm0, $0xb8;
	[tilespmem:$0x18100] =	vst v63  }
0x39: {  	s26 =	simm.s32 $0x2100  }
0x3a: {  	[tilespmem:s26], [sflag:$0x1] =	stream.indirect_vreg.gather [hbm4b:s5+s2], $0x80, v4, vm1, $0xb8;
	[tilespmem:$0x18100] =	vst v63  }
0x3b: {  	s29 =	simm.s32 $0x2500  }
0x3c: {  	[tilespmem:s29], [sflag:$0x1] =	stream.indirect_vreg.gather [hbm4b:s3+s2], $0x80, v3, vm0, $0xb8;
	[tilespmem:$0x18100] =	vst v63  }
0x3d: {  	s30 =	simm.s32 $0x2D00  }
0x3e: {  	[tilespmem:s30], [sflag:$0x1] =	stream.indirect_vreg.gather [hbm4b:s5+s2], $0x80, v3, vm1, $0xb8;
	[tilespmem:$0x18100] =	vst v63  }
0x3f: {  	v3 =	vld [tilespmem:$0x20];
	_ =	sdelay $0x4  }
0x40: {  	v58 =	vshrl.u32 v3, $0x3  }
0x41: {  	v4 =	vmul.u32 $0x18, v58  }
0x42: {  	v3 =	vand.u32 $0x7, v3  }
0x43: {  	v3 =	vor.u32 v3, v4  }
0x44: {  	v4 =	vperm.xlane v3, v0;
	_ =	sdelay $0x1  }
0x45: {  	v4 =	vadd.s32 v1, v4;
	_ =	sdelay $0x1  }
0x46: {  	v3 =	vperm.xlane v3, v2;
	_ =	sdelay $0x1  }
0x47: {  	s26 =	simm.s32 $0x3100;
	v3 =	vadd.s32 v1, v3  }
0x48: {  	[tilespmem:s26], [sflag:$0x1] =	stream.indirect_vreg.gather [hbm4b:s3+s2], $0x80, v4, vm0, $0xb8;
	[tilespmem:$0x18100] =	vst v63  }
0x49: {  	s29 =	simm.s32 $0x3900  }
0x4a: {  	[tilespmem:s29], [sflag:$0x1] =	stream.indirect_vreg.gather [hbm4b:s5+s2], $0x80, v4, vm1, $0xb8;
	[tilespmem:$0x18100] =	vst v63  }
0x4b: {  	s30 =	simm.s32 $0x3D00  }
0x4c: {  	[tilespmem:s30], [sflag:$0x1] =	stream.indirect_vreg.gather [hbm4b:s3+s2], $0x80, v3, vm0, $0xb8;
	[tilespmem:$0x18100] =	vst v63  }
0x4d: {  	s26 =	simm.s32 $0x4500  }
0x4e: {  	[tilespmem:s26], [sflag:$0x1] =	stream.indirect_vreg.gather [hbm4b:s5+s2], $0x80, v3, vm1, $0xb8;
	[tilespmem:$0x18100] =	vst v63  }
0x4f: {  	v3 =	vld [tilespmem:$0x30];
	_ =	sdelay $0x4  }
0x50: {  	v59 =	vshrl.u32 v3, $0x3  }
0x51: {  	v4 =	vmul.u32 $0x18, v59  }
0x52: {  	v3 =	vand.u32 $0x7, v3  }
0x53: {  	v3 =	vor.u32 v3, v4  }
0x54: {  	v4 =	vperm.xlane v3, v0;
	_ =	sdelay $0x1  }
0x55: {  	v4 =	vadd.s32 v1, v4;
	_ =	sdelay $0x1  }
0x56: {  	v3 =	vperm.xlane v3, v2;
	_ =	sdelay $0x1  }
0x57: {  	s29 =	simm.s32 $0x4900;
	v3 =	vadd.s32 v1, v3  }
0x58: {  	[tilespmem:s29], [sflag:$0x1] =	stream.indirect_vreg.gather [hbm4b:s3+s2], $0x80, v4, vm0, $0xb8;
	[tilespmem:$0x18100] =	vst v63  }
0x59: {  	s30 =	simm.s32 $0x5100  }
0x5a: {  	[tilespmem:s30], [sflag:$0x1] =	stream.indirect_vreg.gather [hbm4b:s5+s2], $0x80, v4, vm1, $0xb8;
	[tilespmem:$0x18100] =	vst v63  }
0x5b: {  	s26 =	simm.s32 $0x5500  }
0x5c: {  	[tilespmem:s26], [sflag:$0x1] =	stream.indirect_vreg.gather [hbm4b:s3+s2], $0x80, v3, vm0, $0xb8;
	[tilespmem:$0x18100] =	vst v63  }
0x5d: {  	s29 =	simm.s32 $0x5D00  }
0x5e: {  	[tilespmem:s29], [sflag:$0x1] =	stream.indirect_vreg.gather [hbm4b:s5+s2], $0x80, v3, vm1, $0xb8;
	[tilespmem:$0x18100] =	vst v63  }
0x5f: {  	v3 =	vld [tilespmem:$0x40];
	_ =	sdelay $0x4  }
0x60: {  	v60 =	vshrl.u32 v3, $0x3  }
0x61: {  	v4 =	vmul.u32 $0x18, v60  }
0x62: {  	v3 =	vand.u32 $0x7, v3  }
0x63: {  	v3 =	vor.u32 v3, v4  }
0x64: {  	v4 =	vperm.xlane v3, v0;
	_ =	sdelay $0x1  }
0x65: {  	v4 =	vadd.s32 v1, v4;
	_ =	sdelay $0x1  }
0x66: {  	v3 =	vperm.xlane v3, v2;
	_ =	sdelay $0x1  }
0x67: {  	s30 =	simm.s32 $0x6100;
	v3 =	vadd.s32 v1, v3  }
0x68: {  	[tilespmem:s30], [sflag:$0x1] =	stream.indirect_vreg.gather [hbm4b:s3+s2], $0x80, v4, vm0, $0xb8;
	[tilespmem:$0x18100] =	vst v63  }
0x69: {  	s26 =	simm.s32 $0x6900  }
0x6a: {  	[tilespmem:s26], [sflag:$0x1] =	stream.indirect_vreg.gather [hbm4b:s5+s2], $0x80, v4, vm1, $0xb8;
	[tilespmem:$0x18100] =	vst v63  }
0x6b: {  	s29 =	simm.s32 $0x6D00  }
0x6c: {  	[tilespmem:s29], [sflag:$0x1] =	stream.indirect_vreg.gather [hbm4b:s3+s2], $0x80, v3, vm0, $0xb8;
	[tilespmem:$0x18100] =	vst v63  }
0x6d: {  	s30 =	simm.s32 $0x7500  }
0x6e: {  	[tilespmem:s30], [sflag:$0x1] =	stream.indirect_vreg.gather [hbm4b:s5+s2], $0x80, v3, vm1, $0xb8;
	[tilespmem:$0x18100] =	vst v63  }
0x6f: {  	v3 =	vld [tilespmem:$0x50];
	_ =	sdelay $0x4  }
0x70: {  	v61 =	vshrl.u32 v3, $0x3  }
0x71: {  	v4 =	vmul.u32 $0x18, v61  }
0x72: {  	v3 =	vand.u32 $0x7, v3  }
0x73: {  	v3 =	vor.u32 v3, v4  }
0x74: {  	v4 =	vperm.xlane v3, v0;
	_ =	sdelay $0x1  }
0x75: {  	v4 =	vadd.s32 v1, v4;
	_ =	sdelay $0x1  }
0x76: {  	v3 =	vperm.xlane v3, v2;
	_ =	sdelay $0x1  }
0x77: {  	s26 =	simm.s32 $0x7900;
	v3 =	vadd.s32 v1, v3  }
0x78: {  	[tilespmem:s26], [sflag:$0x1] =	stream.indirect_vreg.gather [hbm4b:s3+s2], $0x80, v4, vm0, $0xb8;
	[tilespmem:$0x18100] =	vst v63  }
0x79: {  	s29 =	simm.s32 $0x8100  }
0x7a: {  	[tilespmem:s29], [sflag:$0x1] =	stream.indirect_vreg.gather [hbm4b:s5+s2], $0x80, v4, vm1, $0xb8;
	[tilespmem:$0x18100] =	vst v63  }
0x7b: {  	s30 =	simm.s32 $0x8500  }
0x7c: {  	[tilespmem:s30], [sflag:$0x1] =	stream.indirect_vreg.gather [hbm4b:s3+s2], $0x80, v3, vm0, $0xb8;
	[tilespmem:$0x18100] =	vst v63  }
0x7d: {  	s26 =	simm.s32 $0x8D00  }
0x7e: {  	[tilespmem:s26], [sflag:$0x1] =	stream.indirect_vreg.gather [hbm4b:s5+s2], $0x80, v3, vm1, $0xb8;
	[tilespmem:$0x18100] =	vst v63  }
0x7f: {  	v3 =	vld [tilespmem:$0x60];
	_ =	sdelay $0x4  }
0x80: {  	v62 =	vshrl.u32 v3, $0x3  }
0x81: {  	v4 =	vmul.u32 $0x18, v62  }
0x82: {  	v3 =	vand.u32 $0x7, v3  }
0x83: {  	v3 =	vor.u32 v3, v4  }
0x84: {  	v4 =	vperm.xlane v3, v0;
	_ =	sdelay $0x1  }
0x85: {  	v4 =	vadd.s32 v1, v4;
	_ =	sdelay $0x1  }
0x86: {  	v3 =	vperm.xlane v3, v2;
	_ =	sdelay $0x1  }
0x87: {  	s29 =	simm.s32 $0x9100;
	v3 =	vadd.s32 v1, v3  }
0x88: {  	[tilespmem:s29], [sflag:$0x1] =	stream.indirect_vreg.gather [hbm4b:s3+s2], $0x80, v4, vm0, $0xb8;
	[tilespmem:$0x18100] =	vst v63  }
0x89: {  	s30 =	simm.s32 $0x9900  }
0x8a: {  	[tilespmem:s30], [sflag:$0x1] =	stream.indirect_vreg.gather [hbm4b:s5+s2], $0x80, v4, vm1, $0xb8;
	[tilespmem:$0x18100] =	vst v63  }
0x8b: {  	s26 =	simm.s32 $0x9D00  }
0x8c: {  	[tilespmem:s26], [sflag:$0x1] =	stream.indirect_vreg.gather [hbm4b:s3+s2], $0x80, v3, vm0, $0xb8;
	[tilespmem:$0x18100] =	vst v63  }
0x8d: {  	s29 =	simm.s32 $0xA500  }
0x8e: {  	[tilespmem:s29], [sflag:$0x1] =	stream.indirect_vreg.gather [hbm4b:s5+s2], $0x80, v3, vm1, $0xb8;
	[tilespmem:$0x18100] =	vst v63  }
0x8f: {  	v3 =	vld [tilespmem:$0x70];
	_ =	sdelay $0x4  }
0x90: {  	v63 =	vshrl.u32 v3, $0x3  }
0x91: {  	v4 =	vmul.u32 $0x18, v63  }
0x92: {  	v3 =	vand.u32 $0x7, v3  }
0x93: {  	v3 =	vor.u32 v3, v4  }
0x94: {  	v4 =	vperm.xlane v3, v0;
	_ =	sdelay $0x1  }
0x95: {  	v4 =	vadd.s32 v1, v4;
	_ =	sdelay $0x2  }
0x96: {  	v3 =	vperm.xlane v3, v2  }
0x97: {  	s30 =	simm.s32 $0xA900  }
0x98: {  	v3 =	vadd.s32 v1, v3;
	[tilespmem:s30], [sflag:$0x1] =	stream.indirect_vreg.gather [hbm4b:s3+s2], $0x80, v4, vm0, $0xb8;
	[tilespmem:$0x18100] =	vst v63  }
0x99: {  	s26 =	simm.s32 $0xB100  }
0x9a: {  	[tilespmem:s26], [sflag:$0x1] =	stream.indirect_vreg.gather [hbm4b:s5+s2], $0x80, v4, vm1, $0xb8;
	[tilespmem:$0x18100] =	vst v63  }
.Ltmp2:
0x9b: {  	_ = 	snop;
	(pc) =	sbr.rel .LBB2_2-.Ltmp2, $4  }
0x9c: {  	s25 =	rddreg [dreg:$0x5];
	s29 =	simm.s32 $0xB500  }
0x9d: {  	[tilespmem:s29], [sflag:$0x1] =	stream.indirect_vreg.gather [hbm4b:s3+s2], $0x80, v3, vm0, $0xb8;
	[tilespmem:$0x18100] =	vst v63  }
0x9e: {  	s28 =	simm.s32 $0x0;
	s30 =	simm.s32 $0xBD00;
	s26 =	rddreg [dreg:$0x4]  }
0x9f: {  	[tilespmem:s30], [sflag:$0x1] =	stream.indirect_vreg.gather [hbm4b:s5+s2], $0x80, v3, vm1, $0xb8;
	[tilespmem:$0x18100] =	vst v63  }
.LBB2_6:
0xa0: {  	_ =	swait.ge [sflag:s23], $0xC000  }
0xa1: {  	[sflag:s23] =	ssyncset.done $0x0  }
0xa2: {  	s29 =	simm.s32 $0x3;
	[sflag:s23] =	ssyncadd.s32 $0xFFFF4000  }
0xa3: {  	[hbm4b:s26+s2] =	stream.linear.scatter [tilespmem:s16], [sflag:$0x3], $0xC000, $0x38;
	[tilespmem:$0x18100] =	vst v63  }
.LBB2_7:
0xa4: {  	s28 =	sadd.s32 $0x1, s28  }
0xa5: {  	p0 =	sne.s32 s28, $0x80  }
.Ltmp3:
0xa6: {  	_ = 	snop;
	(pc) =	sbr.rel @!p0 .LBB2_8-.Ltmp3, $4  }
0xa7: {  	_ = 	snop  }
0xa8: {  	_ =	swait.ge [sflag:s29], $0xC000  }
0xa9: {  	[sflag:s29] =	ssyncset.done $0x0  }
0xaa: {  	s26 =	sadd.s32 $0x1800, s26;
	s25 =	sadd.s32 $0x10, s25;
	[sflag:s29] =	ssyncadd.s32 $0xFFFF4000  }
.LBB2_2:
0xab: {  	s29 =	sand.u32 $0x1, s28  }
0xac: {  	p0 =	seq.s32 s29, $0x1  }
.Ltmp4:
0xad: {  	_ = 	snop;
	(pc) =	sbr.rel @p0 .LBB2_4-.Ltmp4, $1  }
0xae: {  	_ =	sdelay $0x3  }
0xaf: {  	s29 =	simm.s32 $0x80  }
0xb0: {  	[tilespmem:s29], [sflag:$0x4] =	stream.linear.gather [hbm4b:s25+s2], $0x80, $0x38;
	[tilespmem:$0x18100] =	vst v63  }
0xb1: {  	s29 =	simm.s32 $0x4  }
0xb2: {  	_ =	swait.ge [sflag:s29], $0x80  }
0xb3: {  	[sflag:s29] =	ssyncset.done $0x0  }
0xb4: {  	[sflag:s29] =	ssyncadd.s32 $0xFFFFFF80  }
0xb5: {  	v3 =	vld [tilespmem:$0x80];
	_ =	sdelay $0x4  }
0xb6: {  	v4 =	vshrl.u32 v3, $0x3  }
0xb7: {  	v4 =	vmul.u32 $0x18, v4  }
0xb8: {  	v3 =	vand.u32 $0x7, v3  }
0xb9: {  	v3 =	vor.u32 v3, v4  }
0xba: {  	v4 =	vperm.xlane v3, v0;
	_ =	sdelay $0x1  }
0xbb: {  	v4 =	vadd.s32 v1, v4;
	_ =	sdelay $0x1  }
0xbc: {  	v3 =	vperm.xlane v3, v2;
	_ =	sdelay $0x1  }
0xbd: {  	v3 =	vadd.s32 v1, v3  }
0xbe: {  	[tilespmem:s16], [sflag:$0x2] =	stream.indirect_vreg.gather [hbm4b:s3+s2], $0x80, v4, vm0, $0xb8;
	[tilespmem:$0x18100] =	vst v63  }
0xbf: {  	s30 =	simm.s32 $0xC900  }
0xc0: {  	[tilespmem:s30], [sflag:$0x2] =	stream.indirect_vreg.gather [hbm4b:s5+s2], $0x80, v4, vm1, $0xb8;
	[tilespmem:$0x18100] =	vst v63  }
0xc1: {  	s30 =	simm.s32 $0xCD00  }
0xc2: {  	[tilespmem:s30], [sflag:$0x2] =	stream.indirect_vreg.gather [hbm4b:s3+s2], $0x80, v3, vm0, $0xb8;
	[tilespmem:$0x18100] =	vst v63  }
0xc3: {  	s30 =	simm.s32 $0xD500  }
0xc4: {  	[tilespmem:s30], [sflag:$0x2] =	stream.indirect_vreg.gather [hbm4b:s5+s2], $0x80, v3, vm1, $0xb8;
	[tilespmem:$0x18100] =	vst v63  }
0xc5: {  	v3 =	vld [tilespmem:$0x90];
	_ =	sdelay $0x4  }
0xc6: {  	v57 =	vshrl.u32 v3, $0x3  }
0xc7: {  	v4 =	vmul.u32 $0x18, v57  }
0xc8: {  	v3 =	vand.u32 $0x7, v3  }
0xc9: {  	v3 =	vor.u32 v3, v4  }
0xca: {  	v4 =	vperm.xlane v3, v0;
	_ =	sdelay $0x1  }
0xcb: {  	v4 =	vadd.s32 v1, v4;
	_ =	sdelay $0x1  }
0xcc: {  	v3 =	vperm.xlane v3, v2;
	_ =	sdelay $0x1  }
0xcd: {  	s30 =	simm.s32 $0xD900;
	v3 =	vadd.s32 v1, v3  }
0xce: {  	[tilespmem:s30], [sflag:$0x2] =	stream.indirect_vreg.gather [hbm4b:s3+s2], $0x80, v4, vm0, $0xb8;
	[tilespmem:$0x18100] =	vst v63  }
0xcf: {  	s30 =	simm.s32 $0xE100  }
0xd0: {  	[tilespmem:s30], [sflag:$0x2] =	stream.indirect_vreg.gather [hbm4b:s5+s2], $0x80, v4, vm1, $0xb8;
	[tilespmem:$0x18100] =	vst v63  }
0xd1: {  	s30 =	simm.s32 $0xE500  }
0xd2: {  	[tilespmem:s30], [sflag:$0x2] =	stream.indirect_vreg.gather [hbm4b:s3+s2], $0x80, v3, vm0, $0xb8;
	[tilespmem:$0x18100] =	vst v63  }
0xd3: {  	s30 =	simm.s32 $0xED00  }
0xd4: {  	[tilespmem:s30], [sflag:$0x2] =	stream.indirect_vreg.gather [hbm4b:s5+s2], $0x80, v3, vm1, $0xb8;
	[tilespmem:$0x18100] =	vst v63  }
0xd5: {  	v3 =	vld [tilespmem:$0xA0];
	_ =	sdelay $0x4  }
0xd6: {  	v58 =	vshrl.u32 v3, $0x3  }
0xd7: {  	v4 =	vmul.u32 $0x18, v58  }
0xd8: {  	v3 =	vand.u32 $0x7, v3  }
0xd9: {  	v3 =	vor.u32 v3, v4  }
0xda: {  	v4 =	vperm.xlane v3, v0;
	_ =	sdelay $0x1  }
0xdb: {  	v4 =	vadd.s32 v1, v4;
	_ =	sdelay $0x1  }
0xdc: {  	v3 =	vperm.xlane v3, v2;
	_ =	sdelay $0x1  }
0xdd: {  	s30 =	simm.s32 $0xF100;
	v3 =	vadd.s32 v1, v3  }
0xde: {  	[tilespmem:s30], [sflag:$0x2] =	stream.indirect_vreg.gather [hbm4b:s3+s2], $0x80, v4, vm0, $0xb8;
	[tilespmem:$0x18100] =	vst v63  }
0xdf: {  	s30 =	simm.s32 $0xF900  }
0xe0: {  	[tilespmem:s30], [sflag:$0x2] =	stream.indirect_vreg.gather [hbm4b:s5+s2], $0x80, v4, vm1, $0xb8;
	[tilespmem:$0x18100] =	vst v63  }
0xe1: {  	s30 =	simm.s32 $0xFD00  }
0xe2: {  	[tilespmem:s30], [sflag:$0x2] =	stream.indirect_vreg.gather [hbm4b:s3+s2], $0x80, v3, vm0, $0xb8;
	[tilespmem:$0x18100] =	vst v63  }
0xe3: {  	s30 =	simm.s32 $0x10500  }
0xe4: {  	[tilespmem:s30], [sflag:$0x2] =	stream.indirect_vreg.gather [hbm4b:s5+s2], $0x80, v3, vm1, $0xb8;
	[tilespmem:$0x18100] =	vst v63  }
0xe5: {  	v3 =	vld [tilespmem:$0xB0];
	_ =	sdelay $0x4  }
0xe6: {  	v59 =	vshrl.u32 v3, $0x3  }
0xe7: {  	v4 =	vmul.u32 $0x18, v59  }
0xe8: {  	v3 =	vand.u32 $0x7, v3  }
0xe9: {  	v3 =	vor.u32 v3, v4  }
0xea: {  	v4 =	vperm.xlane v3, v0;
	_ =	sdelay $0x1  }
0xeb: {  	v4 =	vadd.s32 v1, v4;
	_ =	sdelay $0x1  }
0xec: {  	v3 =	vperm.xlane v3, v2;
	_ =	sdelay $0x1  }
0xed: {  	s30 =	simm.s32 $0x10900;
	v3 =	vadd.s32 v1, v3  }
0xee: {  	[tilespmem:s30], [sflag:$0x2] =	stream.indirect_vreg.gather [hbm4b:s3+s2], $0x80, v4, vm0, $0xb8;
	[tilespmem:$0x18100] =	vst v63  }
0xef: {  	s30 =	simm.s32 $0x11100  }
0xf0: {  	[tilespmem:s30], [sflag:$0x2] =	stream.indirect_vreg.gather [hbm4b:s5+s2], $0x80, v4, vm1, $0xb8;
	[tilespmem:$0x18100] =	vst v63  }
0xf1: {  	_ = 	snop  }
0xf2: {  	[tilespmem:s31], [sflag:$0x2] =	stream.indirect_vreg.gather [hbm4b:s3+s2], $0x80, v3, vm0, $0xb8;
	[tilespmem:$0x18100] =	vst v63  }
0xf3: {  	_ = 	snop  }
0xf4: {  	[tilespmem:s1], [sflag:$0x2] =	stream.indirect_vreg.gather [hbm4b:s5+s2], $0x80, v3, vm1, $0xb8;
	[tilespmem:$0x18100] =	vst v63  }
0xf5: {  	v3 =	vld [tilespmem:$0xC0];
	_ =	sdelay $0x4  }
0xf6: {  	v60 =	vshrl.u32 v3, $0x3  }
0xf7: {  	v4 =	vmul.u32 $0x18, v60  }
0xf8: {  	v3 =	vand.u32 $0x7, v3  }
0xf9: {  	v3 =	vor.u32 v3, v4  }
0xfa: {  	v4 =	vperm.xlane v3, v0;
	_ =	sdelay $0x1  }
0xfb: {  	v4 =	vadd.s32 v1, v4;
	_ =	sdelay $0x1  }
0xfc: {  	v3 =	vperm.xlane v3, v2;
	_ =	sdelay $0x1  }
0xfd: {  	v3 =	vadd.s32 v1, v3  }
0xfe: {  	[tilespmem:s0], [sflag:$0x2] =	stream.indirect_vreg.gather [hbm4b:s3+s2], $0x80, v4, vm0, $0xb8;
	[tilespmem:$0x18100] =	vst v63  }
0xff: {  	_ = 	snop  }
0x100: {  	[tilespmem:s4], [sflag:$0x2] =	stream.indirect_vreg.gather [hbm4b:s5+s2], $0x80, v4, vm1, $0xb8;
	[tilespmem:$0x18100] =	vst v63  }
0x101: {  	_ = 	snop  }
0x102: {  	[tilespmem:s6], [sflag:$0x2] =	stream.indirect_vreg.gather [hbm4b:s3+s2], $0x80, v3, vm0, $0xb8;
	[tilespmem:$0x18100] =	vst v63  }
0x103: {  	_ = 	snop  }
0x104: {  	[tilespmem:s7], [sflag:$0x2] =	stream.indirect_vreg.gather [hbm4b:s5+s2], $0x80, v3, vm1, $0xb8;
	[tilespmem:$0x18100] =	vst v63  }
0x105: {  	v3 =	vld [tilespmem:$0xD0];
	_ =	sdelay $0x4  }
0x106: {  	v61 =	vshrl.u32 v3, $0x3  }
0x107: {  	v4 =	vmul.u32 $0x18, v61  }
0x108: {  	v3 =	vand.u32 $0x7, v3  }
0x109: {  	v3 =	vor.u32 v3, v4  }
0x10a: {  	v4 =	vperm.xlane v3, v0;
	_ =	sdelay $0x1  }
0x10b: {  	v4 =	vadd.s32 v1, v4;
	_ =	sdelay $0x1  }
0x10c: {  	v3 =	vperm.xlane v3, v2;
	_ =	sdelay $0x1  }
0x10d: {  	v3 =	vadd.s32 v1, v3  }
0x10e: {  	[tilespmem:s8], [sflag:$0x2] =	stream.indirect_vreg.gather [hbm4b:s3+s2], $0x80, v4, vm0, $0xb8;
	[tilespmem:$0x18100] =	vst v63  }
0x10f: {  	_ = 	snop  }
0x110: {  	[tilespmem:s9], [sflag:$0x2] =	stream.indirect_vreg.gather [hbm4b:s5+s2], $0x80, v4, vm1, $0xb8;
	[tilespmem:$0x18100] =	vst v63  }
0x111: {  	_ = 	snop  }
0x112: {  	[tilespmem:s11], [sflag:$0x2] =	stream.indirect_vreg.gather [hbm4b:s3+s2], $0x80, v3, vm0, $0xb8;
	[tilespmem:$0x18100] =	vst v63  }
0x113: {  	_ = 	snop  }
0x114: {  	[tilespmem:s12], [sflag:$0x2] =	stream.indirect_vreg.gather [hbm4b:s5+s2], $0x80, v3, vm1, $0xb8;
	[tilespmem:$0x18100] =	vst v63  }
0x115: {  	v3 =	vld [tilespmem:$0xE0];
	_ =	sdelay $0x4  }
0x116: {  	v62 =	vshrl.u32 v3, $0x3  }
0x117: {  	v4 =	vmul.u32 $0x18, v62  }
0x118: {  	v3 =	vand.u32 $0x7, v3  }
0x119: {  	v3 =	vor.u32 v3, v4  }
0x11a: {  	v4 =	vperm.xlane v3, v0;
	_ =	sdelay $0x1  }
0x11b: {  	v4 =	vadd.s32 v1, v4;
	_ =	sdelay $0x1  }
0x11c: {  	v3 =	vperm.xlane v3, v2;
	_ =	sdelay $0x1  }
0x11d: {  	v3 =	vadd.s32 v1, v3  }
0x11e: {  	[tilespmem:s13], [sflag:$0x2] =	stream.indirect_vreg.gather [hbm4b:s3+s2], $0x80, v4, vm0, $0xb8;
	[tilespmem:$0x18100] =	vst v63  }
0x11f: {  	_ = 	snop  }
0x120: {  	[tilespmem:s14], [sflag:$0x2] =	stream.indirect_vreg.gather [hbm4b:s5+s2], $0x80, v4, vm1, $0xb8;
	[tilespmem:$0x18100] =	vst v63  }
0x121: {  	_ = 	snop  }
0x122: {  	[tilespmem:s15], [sflag:$0x2] =	stream.indirect_vreg.gather [hbm4b:s3+s2], $0x80, v3, vm0, $0xb8;
	[tilespmem:$0x18100] =	vst v63  }
0x123: {  	_ = 	snop  }
0x124: {  	[tilespmem:s17], [sflag:$0x2] =	stream.indirect_vreg.gather [hbm4b:s5+s2], $0x80, v3, vm1, $0xb8;
	[tilespmem:$0x18100] =	vst v63  }
0x125: {  	v3 =	vld [tilespmem:$0xF0];
	_ =	sdelay $0x4  }
0x126: {  	v63 =	vshrl.u32 v3, $0x3  }
0x127: {  	v4 =	vmul.u32 $0x18, v63  }
0x128: {  	v3 =	vand.u32 $0x7, v3  }
0x129: {  	v3 =	vor.u32 v3, v4  }
0x12a: {  	v4 =	vperm.xlane v3, v0;
	_ =	sdelay $0x1  }
0x12b: {  	v4 =	vadd.s32 v1, v4;
	_ =	sdelay $0x1  }
0x12c: {  	v3 =	vperm.xlane v3, v2;
	_ =	sdelay $0x1  }
0x12d: {  	v3 =	vadd.s32 v1, v3  }
0x12e: {  	[tilespmem:s18], [sflag:$0x2] =	stream.indirect_vreg.gather [hbm4b:s3+s2], $0x80, v4, vm0, $0xb8;
	[tilespmem:$0x18100] =	vst v63  }
0x12f: {  	_ = 	snop  }
0x130: {  	[tilespmem:s19], [sflag:$0x2] =	stream.indirect_vreg.gather [hbm4b:s5+s2], $0x80, v4, vm1, $0xb8;
	[tilespmem:$0x18100] =	vst v63  }
0x131: {  	_ = 	snop  }
0x132: {  	[tilespmem:s20], [sflag:$0x2] =	stream.indirect_vreg.gather [hbm4b:s3+s2], $0x80, v3, vm0, $0xb8;
	[tilespmem:$0x18100] =	vst v63  }
0x133: {  	_ = 	snop  }
0x134: {  	[tilespmem:s21], [sflag:$0x2] =	stream.indirect_vreg.gather [hbm4b:s5+s2], $0x80, v3, vm1, $0xb8;
	[tilespmem:$0x18100] =	vst v63  }
.Ltmp5:
0x135: {  	_ = 	snop;
	(pc) =	sbr.rel .LBB2_7-.Ltmp5, $4  }
0x136: {  	_ =	swait.ge [sflag:s22], $0xC000  }
0x137: {  	[sflag:s22] =	ssyncset.done $0x0  }
0x138: {  	[sflag:s22] =	ssyncadd.s32 $0xFFFF4000  }
0x139: {  	[hbm4b:s26+s2] =	stream.linear.scatter [tilespmem:s10], [sflag:$0x4], $0xC000, $0x38;
	[tilespmem:$0x18100] =	vst v63  }
.LBB2_4:
0x13a: {  	p0 =	seq.s32 s28, $0x7F  }
.Ltmp6:
0x13b: {  	_ = 	snop;
	(pc) =	sbr.rel @p0 .LBB2_6-.Ltmp6, $1  }
0x13c: {  	_ =	sdelay $0x3  }
0x13d: {  	[tilespmem:s2], [sflag:$0x4] =	stream.linear.gather [hbm4b:s25+s2], $0x80, $0x38;
	[tilespmem:$0x18100] =	vst v63  }
0x13e: {  	_ =	swait.ge [sflag:s24], $0x80  }
0x13f: {  	[sflag:s24] =	ssyncset.done $0x0  }
0x140: {  	[sflag:s24] =	ssyncadd.s32 $0xFFFFFF80  }
0x141: {  	v3 =	vld [tilespmem:$0x0];
	_ =	sdelay $0x4  }
0x142: {  	v4 =	vshrl.u32 v3, $0x3  }
0x143: {  	v4 =	vmul.u32 $0x18, v4  }
0x144: {  	v3 =	vand.u32 $0x7, v3  }
0x145: {  	v3 =	vor.u32 v3, v4  }
0x146: {  	v4 =	vperm.xlane v3, v0;
	_ =	sdelay $0x1  }
0x147: {  	v4 =	vadd.s32 v1, v4;
	_ =	sdelay $0x1  }
0x148: {  	v3 =	vperm.xlane v3, v2;
	_ =	sdelay $0x1  }
0x149: {  	v3 =	vadd.s32 v1, v3  }
0x14a: {  	[tilespmem:s10], [sflag:$0x1] =	stream.indirect_vreg.gather [hbm4b:s3+s2], $0x80, v4, vm0, $0xb8;
	[tilespmem:$0x18100] =	vst v63  }
0x14b: {  	s29 =	simm.s32 $0x900  }
0x14c: {  	[tilespmem:s29], [sflag:$0x1] =	stream.indirect_vreg.gather [hbm4b:s5+s2], $0x80, v4, vm1, $0xb8;
	[tilespmem:$0x18100] =	vst v63  }
0x14d: {  	s30 =	simm.s32 $0xD00  }
0x14e: {  	[tilespmem:s30], [sflag:$0x1] =	stream.indirect_vreg.gather [hbm4b:s3+s2], $0x80, v3, vm0, $0xb8;
	[tilespmem:$0x18100] =	vst v63  }
0x14f: {  	s30 =	simm.s32 $0x1500  }
0x150: {  	[tilespmem:s30], [sflag:$0x1] =	stream.indirect_vreg.gather [hbm4b:s5+s2], $0x80, v3, vm1, $0xb8;
	[tilespmem:$0x18100] =	vst v63  }
0x151: {  	v3 =	vld [tilespmem:$0x10];
	_ =	sdelay $0x4  }
0x152: {  	v57 =	vshrl.u32 v3, $0x3  }
0x153: {  	v4 =	vmul.u32 $0x18, v57  }
0x154: {  	v3 =	vand.u32 $0x7, v3  }
0x155: {  	v3 =	vor.u32 v3, v4  }
0x156: {  	v4 =	vperm.xlane v3, v0;
	_ =	sdelay $0x1  }
0x157: {  	v4 =	vadd.s32 v1, v4;
	_ =	sdelay $0x1  }
0x158: {  	v3 =	vperm.xlane v3, v2;
	_ =	sdelay $0x1  }
0x159: {  	s30 =	simm.s32 $0x1900;
	v3 =	vadd.s32 v1, v3  }
0x15a: {  	[tilespmem:s30], [sflag:$0x1] =	stream.indirect_vreg.gather [hbm4b:s3+s2], $0x80, v4, vm0, $0xb8;
	[tilespmem:$0x18100] =	vst v63  }
0x15b: {  	s30 =	simm.s32 $0x2100  }
0x15c: {  	[tilespmem:s30], [sflag:$0x1] =	stream.indirect_vreg.gather [hbm4b:s5+s2], $0x80, v4, vm1, $0xb8;
	[tilespmem:$0x18100] =	vst v63  }
0x15d: {  	s30 =	simm.s32 $0x2500  }
0x15e: {  	[tilespmem:s30], [sflag:$0x1] =	stream.indirect_vreg.gather [hbm4b:s3+s2], $0x80, v3, vm0, $0xb8;
	[tilespmem:$0x18100] =	vst v63  }
0x15f: {  	s30 =	simm.s32 $0x2D00  }
0x160: {  	[tilespmem:s30], [sflag:$0x1] =	stream.indirect_vreg.gather [hbm4b:s5+s2], $0x80, v3, vm1, $0xb8;
	[tilespmem:$0x18100] =	vst v63  }
0x161: {  	v3 =	vld [tilespmem:$0x20];
	_ =	sdelay $0x4  }
0x162: {  	v58 =	vshrl.u32 v3, $0x3  }
0x163: {  	v4 =	vmul.u32 $0x18, v58  }
0x164: {  	v3 =	vand.u32 $0x7, v3  }
0x165: {  	v3 =	vor.u32 v3, v4  }
0x166: {  	v4 =	vperm.xlane v3, v0;
	_ =	sdelay $0x1  }
0x167: {  	v4 =	vadd.s32 v1, v4;
	_ =	sdelay $0x1  }
0x168: {  	v3 =	vperm.xlane v3, v2;
	_ =	sdelay $0x1  }
0x169: {  	s30 =	simm.s32 $0x3100;
	v3 =	vadd.s32 v1, v3  }
0x16a: {  	[tilespmem:s30], [sflag:$0x1] =	stream.indirect_vreg.gather [hbm4b:s3+s2], $0x80, v4, vm0, $0xb8;
	[tilespmem:$0x18100] =	vst v63  }
0x16b: {  	s30 =	simm.s32 $0x3900  }
0x16c: {  	[tilespmem:s30], [sflag:$0x1] =	stream.indirect_vreg.gather [hbm4b:s5+s2], $0x80, v4, vm1, $0xb8;
	[tilespmem:$0x18100] =	vst v63  }
0x16d: {  	s30 =	simm.s32 $0x3D00  }
0x16e: {  	[tilespmem:s30], [sflag:$0x1] =	stream.indirect_vreg.gather [hbm4b:s3+s2], $0x80, v3, vm0, $0xb8;
	[tilespmem:$0x18100] =	vst v63  }
0x16f: {  	s30 =	simm.s32 $0x4500  }
0x170: {  	[tilespmem:s30], [sflag:$0x1] =	stream.indirect_vreg.gather [hbm4b:s5+s2], $0x80, v3, vm1, $0xb8;
	[tilespmem:$0x18100] =	vst v63  }
0x171: {  	v3 =	vld [tilespmem:$0x30];
	_ =	sdelay $0x4  }
0x172: {  	v59 =	vshrl.u32 v3, $0x3  }
0x173: {  	v4 =	vmul.u32 $0x18, v59  }
0x174: {  	v3 =	vand.u32 $0x7, v3  }
0x175: {  	v3 =	vor.u32 v3, v4  }
0x176: {  	v4 =	vperm.xlane v3, v0;
	_ =	sdelay $0x1  }
0x177: {  	v4 =	vadd.s32 v1, v4;
	_ =	sdelay $0x1  }
0x178: {  	v3 =	vperm.xlane v3, v2;
	_ =	sdelay $0x1  }
0x179: {  	s30 =	simm.s32 $0x4900;
	v3 =	vadd.s32 v1, v3  }
0x17a: {  	[tilespmem:s30], [sflag:$0x1] =	stream.indirect_vreg.gather [hbm4b:s3+s2], $0x80, v4, vm0, $0xb8;
	[tilespmem:$0x18100] =	vst v63  }
0x17b: {  	s30 =	simm.s32 $0x5100  }
0x17c: {  	[tilespmem:s30], [sflag:$0x1] =	stream.indirect_vreg.gather [hbm4b:s5+s2], $0x80, v4, vm1, $0xb8;
	[tilespmem:$0x18100] =	vst v63  }
0x17d: {  	s30 =	simm.s32 $0x5500  }
0x17e: {  	[tilespmem:s30], [sflag:$0x1] =	stream.indirect_vreg.gather [hbm4b:s3+s2], $0x80, v3, vm0, $0xb8;
	[tilespmem:$0x18100] =	vst v63  }
0x17f: {  	s30 =	simm.s32 $0x5D00  }
0x180: {  	[tilespmem:s30], [sflag:$0x1] =	stream.indirect_vreg.gather [hbm4b:s5+s2], $0x80, v3, vm1, $0xb8;
	[tilespmem:$0x18100] =	vst v63  }
0x181: {  	v3 =	vld [tilespmem:$0x40];
	_ =	sdelay $0x4  }
0x182: {  	v60 =	vshrl.u32 v3, $0x3  }
0x183: {  	v4 =	vmul.u32 $0x18, v60  }
0x184: {  	v3 =	vand.u32 $0x7, v3  }
0x185: {  	v3 =	vor.u32 v3, v4  }
0x186: {  	v4 =	vperm.xlane v3, v0;
	_ =	sdelay $0x1  }
0x187: {  	v4 =	vadd.s32 v1, v4;
	_ =	sdelay $0x1  }
0x188: {  	v3 =	vperm.xlane v3, v2;
	_ =	sdelay $0x1  }
0x189: {  	s30 =	simm.s32 $0x6100;
	v3 =	vadd.s32 v1, v3  }
0x18a: {  	[tilespmem:s30], [sflag:$0x1] =	stream.indirect_vreg.gather [hbm4b:s3+s2], $0x80, v4, vm0, $0xb8;
	[tilespmem:$0x18100] =	vst v63  }
0x18b: {  	s30 =	simm.s32 $0x6900  }
0x18c: {  	[tilespmem:s30], [sflag:$0x1] =	stream.indirect_vreg.gather [hbm4b:s5+s2], $0x80, v4, vm1, $0xb8;
	[tilespmem:$0x18100] =	vst v63  }
0x18d: {  	s30 =	simm.s32 $0x6D00  }
0x18e: {  	[tilespmem:s30], [sflag:$0x1] =	stream.indirect_vreg.gather [hbm4b:s3+s2], $0x80, v3, vm0, $0xb8;
	[tilespmem:$0x18100] =	vst v63  }
0x18f: {  	s30 =	simm.s32 $0x7500  }
0x190: {  	[tilespmem:s30], [sflag:$0x1] =	stream.indirect_vreg.gather [hbm4b:s5+s2], $0x80, v3, vm1, $0xb8;
	[tilespmem:$0x18100] =	vst v63  }
0x191: {  	v3 =	vld [tilespmem:$0x50];
	_ =	sdelay $0x4  }
0x192: {  	v61 =	vshrl.u32 v3, $0x3  }
0x193: {  	v4 =	vmul.u32 $0x18, v61  }
0x194: {  	v3 =	vand.u32 $0x7, v3  }
0x195: {  	v3 =	vor.u32 v3, v4  }
0x196: {  	v4 =	vperm.xlane v3, v0;
	_ =	sdelay $0x1  }
0x197: {  	v4 =	vadd.s32 v1, v4;
	_ =	sdelay $0x1  }
0x198: {  	v3 =	vperm.xlane v3, v2;
	_ =	sdelay $0x1  }
0x199: {  	s30 =	simm.s32 $0x7900;
	v3 =	vadd.s32 v1, v3  }
0x19a: {  	[tilespmem:s30], [sflag:$0x1] =	stream.indirect_vreg.gather [hbm4b:s3+s2], $0x80, v4, vm0, $0xb8;
	[tilespmem:$0x18100] =	vst v63  }
0x19b: {  	s30 =	simm.s32 $0x8100  }
0x19c: {  	[tilespmem:s30], [sflag:$0x1] =	stream.indirect_vreg.gather [hbm4b:s5+s2], $0x80, v4, vm1, $0xb8;
	[tilespmem:$0x18100] =	vst v63  }
0x19d: {  	s30 =	simm.s32 $0x8500  }
0x19e: {  	[tilespmem:s30], [sflag:$0x1] =	stream.indirect_vreg.gather [hbm4b:s3+s2], $0x80, v3, vm0, $0xb8;
	[tilespmem:$0x18100] =	vst v63  }
0x19f: {  	s30 =	simm.s32 $0x8D00  }
0x1a0: {  	[tilespmem:s30], [sflag:$0x1] =	stream.indirect_vreg.gather [hbm4b:s5+s2], $0x80, v3, vm1, $0xb8;
	[tilespmem:$0x18100] =	vst v63  }
0x1a1: {  	v3 =	vld [tilespmem:$0x60];
	_ =	sdelay $0x4  }
0x1a2: {  	v62 =	vshrl.u32 v3, $0x3  }
0x1a3: {  	v4 =	vmul.u32 $0x18, v62  }
0x1a4: {  	v3 =	vand.u32 $0x7, v3  }
0x1a5: {  	v3 =	vor.u32 v3, v4  }
0x1a6: {  	v4 =	vperm.xlane v3, v0;
	_ =	sdelay $0x1  }
0x1a7: {  	v4 =	vadd.s32 v1, v4;
	_ =	sdelay $0x1  }
0x1a8: {  	v3 =	vperm.xlane v3, v2;
	_ =	sdelay $0x1  }
0x1a9: {  	s30 =	simm.s32 $0x9100;
	v3 =	vadd.s32 v1, v3  }
0x1aa: {  	[tilespmem:s30], [sflag:$0x1] =	stream.indirect_vreg.gather [hbm4b:s3+s2], $0x80, v4, vm0, $0xb8;
	[tilespmem:$0x18100] =	vst v63  }
0x1ab: {  	s30 =	simm.s32 $0x9900  }
0x1ac: {  	[tilespmem:s30], [sflag:$0x1] =	stream.indirect_vreg.gather [hbm4b:s5+s2], $0x80, v4, vm1, $0xb8;
	[tilespmem:$0x18100] =	vst v63  }
0x1ad: {  	s30 =	simm.s32 $0x9D00  }
0x1ae: {  	[tilespmem:s30], [sflag:$0x1] =	stream.indirect_vreg.gather [hbm4b:s3+s2], $0x80, v3, vm0, $0xb8;
	[tilespmem:$0x18100] =	vst v63  }
0x1af: {  	s30 =	simm.s32 $0xA500  }
0x1b0: {  	[tilespmem:s30], [sflag:$0x1] =	stream.indirect_vreg.gather [hbm4b:s5+s2], $0x80, v3, vm1, $0xb8;
	[tilespmem:$0x18100] =	vst v63  }
0x1b1: {  	v3 =	vld [tilespmem:$0x70];
	_ =	sdelay $0x4  }
0x1b2: {  	v63 =	vshrl.u32 v3, $0x3  }
0x1b3: {  	v4 =	vmul.u32 $0x18, v63  }
0x1b4: {  	v3 =	vand.u32 $0x7, v3  }
0x1b5: {  	v3 =	vor.u32 v3, v4  }
0x1b6: {  	v4 =	vperm.xlane v3, v0;
	_ =	sdelay $0x1  }
0x1b7: {  	v4 =	vadd.s32 v1, v4;
	_ =	sdelay $0x2  }
0x1b8: {  	v3 =	vperm.xlane v3, v2  }
0x1b9: {  	s30 =	simm.s32 $0xA900  }
0x1ba: {  	v3 =	vadd.s32 v1, v3;
	[tilespmem:s30], [sflag:$0x1] =	stream.indirect_vreg.gather [hbm4b:s3+s2], $0x80, v4, vm0, $0xb8;
	[tilespmem:$0x18100] =	vst v63  }
0x1bb: {  	s30 =	simm.s32 $0xB100  }
0x1bc: {  	[tilespmem:s30], [sflag:$0x1] =	stream.indirect_vreg.gather [hbm4b:s5+s2], $0x80, v4, vm1, $0xb8;
	[tilespmem:$0x18100] =	vst v63  }
.Ltmp7:
0x1bd: {  	_ = 	snop;
	(pc) =	sbr.rel .LBB2_6-.Ltmp7, $4  }
0x1be: {  	s30 =	simm.s32 $0xB500  }
0x1bf: {  	[tilespmem:s30], [sflag:$0x1] =	stream.indirect_vreg.gather [hbm4b:s3+s2], $0x80, v3, vm0, $0xb8;
	[tilespmem:$0x18100] =	vst v63  }
0x1c0: {  	s30 =	simm.s32 $0xBD00  }
0x1c1: {  	[tilespmem:s30], [sflag:$0x1] =	stream.indirect_vreg.gather [hbm4b:s5+s2], $0x80, v3, vm1, $0xb8;
	[tilespmem:$0x18100] =	vst v63  }
.LBB2_9:
0x1c2: {  	_ =	sfence.sel $0x180000  }
0x1c3: {  	[bflag:$0x0] =	sbarrier.arrive $0xFFFF  }
0x1c4: {  	_ =	strace $0x90000047  }
0x1c5: {  	s0 =	stileid.u32;
	[bflag:$0x2] =	sbarrier.arrive $0xFFFF  }
0x1c6: {  	p0 =	sne.s32 s0, $0x0;
	s0 =	rddreg [dreg:$0x1]  }
0x1c7: {  	s0 =	sadd.s32 @!p0 $0x100000, s0  }
0x1c8: {  	[sflag:s0] =	ssyncadd.tile.s32 @!p0 $0x1;
	_ =	shalt  }
.Lfunc_end2:
_tile_overlayer_lowered:
.L_overlay_start_2:
0x1c9: {  	(tag) =	ssettag $0x2  }
0x1ca: {  	s0 =	rddreg [dreg:$0x0];
	s2 =	stileid.u32  }
0x1cb: {  	s1 =	rddreg [dreg:$0x1];
	p0 =	sne.s32 s2, $0x0  }
0x1cc: {  	s3 =	rddreg [dreg:$0x2];
	[bflag:$0x3] =	sbarrier.arrive $0xFFFF;
	s2 =	simm.s32 @!p0 $0x1C03  }
0x1cd: {  	[timem:s3], [sflag:s2] =	dma.local @!p0 [hbm:s0], s1  }
0x1ce: {  	s0 =	simm.s32 @!p0 $0x3  }
0x1cf: {  	_ =	swait.ge @!p0 [sflag:s0], s1  }
0x1d0: {  	s1 =	ssub.s32 @!p0 $0x0, s1;
	[sflag:s0] =	ssyncset.done @!p0 $0x0  }
0x1d1: {  	[sflag:s0] =	ssyncadd.s32 @!p0 s1  }
0x1d2: {  	[bflag:$0x3] =	sbarrier.arrive $0xFFFF  }
0x1d3: {  	_ =	shalt  }

</sc_bundles>
